<compile_context>
chip_gen: v7x
topology: tpu7x:2x2x1
jax: 0.10.2.dev20260603
libtpu: 0.0.44.dev20260713+nightly
codegen_flags: <defaults>
</compile_context>

<pallas_src>
import functools

import jax
import jax.numpy as jnp
from jax import lax
from jax.experimental import pallas as pl
from jax.experimental.pallas import tpu as pltpu
from jax.experimental.pallas import tpu_sc as plsc

T, K, E, D, F, L, R = 256, 2, 16, 1024, 1024, 4, 16


_NW = 16
_TPW = T // _NW

_sc_mesh = plsc.VectorSubcoreMesh(core_axis_name="c", subcore_axis_name="s")


@functools.partial(
    pl.kernel,
    mesh=_sc_mesh,
    out_type=jax.ShapeDtypeStruct((T * E,), jnp.float32),
    scratch_types=[
        pltpu.VMEM((2 * _TPW,), jnp.float32),
        pltpu.VMEM((2 * _TPW,), jnp.int32),
        pltpu.VMEM((_TPW * E,), jnp.float32),
    ],
)
def _routing_call(wmeta_hbm, imeta_hbm, c_hbm, wmeta_v, imeta_v, c_slab):
    nc = 2
    wid = lax.axis_index("s") * nc + lax.axis_index("c")

    @pl.when(wid < _NW)
    def _work():
        base = wid * _TPW
        pltpu.sync_copy(wmeta_hbm.at[pl.ds(2 * base, 2 * _TPW)], wmeta_v)
        pltpu.sync_copy(imeta_hbm.at[pl.ds(2 * base, 2 * _TPW)], imeta_v)

        eio = lax.iota(jnp.int32, E)
        w0 = wmeta_v[pl.ds(0, _TPW)]
        w1 = wmeta_v[pl.ds(_TPW, _TPW)]
        id0 = imeta_v[pl.ds(0, _TPW)]
        id1 = imeta_v[pl.ds(_TPW, _TPW)]
        ninv = 1.0 / (w0 + w1 + 1e-9)
        n0 = w0 * ninv
        n1 = w1 * ninv
        for i in range(_TPW):
            row = (jnp.where(eio == id0[i], n0[i], 0.0) +
                   jnp.where(eio == id1[i], n1[i], 0.0))
            c_slab[pl.ds(i * E, E)] = row

        pltpu.sync_copy(c_slab, c_hbm.at[pl.ds(base * E, _TPW * E)])



EPB = 2
GRID = E // EPB


def _moe_body(c_ref, li_ref, scal_ref, x_ref, wg_ref, wu_ref,
              wd_ref, la_ref, lb_ref, o_ref, xb_ref):
    step = pl.program_id(0)

    @pl.when(step == 0)
    def _init():
        o_ref[...] = jnp.zeros_like(o_ref)
        xb_ref[...] = x_ref[...].astype(jnp.bfloat16)

    xb = xb_ref[...]

    c = c_ref[...]
    eio = jax.lax.broadcasted_iota(jnp.int32, (T, E), 1)
    lio = jax.lax.broadcasted_iota(jnp.int32, (T, L), 1)
    sel = jnp.where(lio == li_ref[...], 1.0, 0.0) * scal_ref[...]

    acc = jnp.zeros((T, D), jnp.float32)
    for j in range(EPB):
        e = step * EPB + j
        cvec = jnp.sum(jnp.where(eio == e, c, 0.0),
                       axis=1, keepdims=True)

        wg = wg_ref[j].astype(jnp.bfloat16)
        wu = wu_ref[j].astype(jnp.bfloat16)
        g = jnp.dot(xb, wg, preferred_element_type=jnp.float32)
        u = jnp.dot(xb, wu, preferred_element_type=jnp.float32)
        h = (g / (1.0 + jnp.exp(-g))) * u
        wd = wd_ref[j].astype(jnp.bfloat16)
        o = jnp.dot(h.astype(jnp.bfloat16), wd,
                    preferred_element_type=jnp.float32)

        a4 = la_ref[:, j].reshape(L * R, D).astype(jnp.bfloat16)
        za = jax.lax.dot_general(xb, a4, (((1,), (1,)), ((), ())),
                                 preferred_element_type=jnp.float32)
        delta = o
        for l in range(L):
            zs = za[:, l * R:(l + 1) * R] * sel[:, l:l + 1]
            bl = lb_ref[l, j].astype(jnp.bfloat16)
            delta = delta + jax.lax.dot_general(
                zs.astype(jnp.bfloat16), bl, (((1,), (1,)), ((), ())),
                preferred_element_type=jnp.float32)

        acc = acc + cvec * delta

    o_ref[...] += acc


_moe_call = pl.pallas_call(
    _moe_body,
    grid=(GRID,),
    in_specs=[
        pl.BlockSpec((T, E), lambda s: (0, 0)),
        pl.BlockSpec((T, 1), lambda s: (0, 0)),
        pl.BlockSpec((1, L), lambda s: (0, 0)),
        pl.BlockSpec((T, D), lambda s: (0, 0)),
        pl.BlockSpec((EPB, D, F), lambda s: (s, 0, 0)),
        pl.BlockSpec((EPB, D, F), lambda s: (s, 0, 0)),
        pl.BlockSpec((EPB, F, D), lambda s: (s, 0, 0)),
        pl.BlockSpec((L, EPB, R, D), lambda s: (0, s, 0, 0)),
        pl.BlockSpec((L, EPB, D, R), lambda s: (0, s, 0, 0)),
    ],
    out_specs=pl.BlockSpec((T, D), lambda s: (0, 0)),
    out_shape=jax.ShapeDtypeStruct((T, D), jnp.float32),
    scratch_shapes=[pltpu.VMEM((T, D), jnp.bfloat16)],
    compiler_params=pltpu.CompilerParams(
        dimension_semantics=("arbitrary",),
        vmem_limit_bytes=63 * 1024 * 1024),
)


def kernel(hidden_states, topk_weights, w_gate, w_up, w_down, lora_a,
           lora_b, scalings, topk_ids, lora_indices):
    wpack = jnp.transpose(topk_weights.reshape(_NW, _TPW, K),
                          (0, 2, 1)).reshape(2 * T)
    ipack = jnp.transpose(topk_ids.reshape(_NW, _TPW, K),
                          (0, 2, 1)).reshape(2 * T)
    c = _routing_call(wpack, ipack).reshape(T, E)
    li = lora_indices.reshape(T, 1)
    scal = scalings.reshape(1, L)
    return _moe_call(c, li, scal, hidden_states,
                     w_gate, w_up, w_down, lora_a, lora_b)

# --- scband reference (transcript-rebuilt; emitter-appended) ---
"""Pipeline reference for scband-fused-mo-ewith-lo-ra-36344013259314 (READ-ONLY COPY).

The authoritative reference and input builder live on the scoring server;
editing this copy changes nothing except your own understanding.
"""

import jax, jax.numpy as jnp
import numpy as np

T, K, E, D, F, L, R = 256, 2, 16, 1024, 1024, 4, 16


def setup_inputs(seed: int = 0) -> dict:
    key = jax.random.key(seed)
    ks = jax.random.split(key, 10)
    hidden_states = jax.random.normal(ks[0], (T, D), dtype=jnp.float32)
    topk_weights = jax.random.uniform(ks[1], (T, K), dtype=jnp.float32)
    topk_ids = jax.random.randint(ks[2], (T, K), 0, E, dtype=jnp.int32)
    lora_indices = jax.random.randint(ks[3], (T,), 0, L, dtype=jnp.int32)
    w_gate = jax.random.normal(ks[4], (E, D, F), dtype=jnp.float32) * 0.02
    w_up = jax.random.normal(ks[5], (E, D, F), dtype=jnp.float32) * 0.02
    w_down = jax.random.normal(ks[6], (E, F, D), dtype=jnp.float32) * 0.02
    lora_a = jax.random.normal(ks[7], (L, E, R, D), dtype=jnp.float32) * 0.02
    lora_b = jax.random.normal(ks[8], (L, E, D, R), dtype=jnp.float32) * 0.02
    scalings = jnp.full((L,), 2.0, dtype=jnp.float32)
    return {
        'hidden_states': hidden_states,
        'topk_weights': topk_weights,
        'w_gate': w_gate,
        'w_up': w_up,
        'w_down': w_down,
        'lora_a': lora_a,
        'lora_b': lora_b,
        'scalings': scalings,
        'topk_ids': topk_ids,
        'lora_indices': lora_indices,
    }


def reference(hidden_states, topk_weights, w_gate, w_up, w_down, lora_a, lora_b, scalings, topk_ids, lora_indices):
    T_, K_ = topk_ids.shape
    E_ = w_gate.shape[0]
    # normalize top-k routing weights (standard fused-MoE renormalization)
    tw = topk_weights / (jnp.sum(topk_weights, axis=-1, keepdims=True) + 1e-9)
    # dense combine matrix c[t, e]: scatter-add of topk weights (SparseCore scatter)
    c = jnp.zeros((T_, E_), dtype=hidden_states.dtype)
    c = c.at[jnp.arange(T_)[:, None], topk_ids].add(tw)
    # --- stage 1: base MoE (SwiGLU expert FFN, combined by routing weights) ---
    g = jnp.einsum('td,edf->tef', hidden_states, w_gate)
    u = jnp.einsum('td,edf->tef', hidden_states, w_up)
    h = jax.nn.silu(g) * u
    o = jnp.einsum('tef,efd->ted', h, w_down)
    base_output = jnp.einsum('te,ted->td', c, o)
    # --- stage 2: parallel per-expert LoRA delta (gather per-token LoRA weights) ---
    a_tok = jnp.take(lora_a, lora_indices, axis=0)   # [T, E, R, D]
    b_tok = jnp.take(lora_b, lora_indices, axis=0)   # [T, E, D, R]
    s_tok = jnp.take(scalings, lora_indices, axis=0) # [T]
    za = jnp.einsum('td,terd->ter', hidden_states, a_tok)
    zb = jnp.einsum('ter,tedr->ted', za, b_tok)
    delta = jnp.einsum('te,ted->td', c, zb) * s_tok[:, None]
    # --- stage 3: in-place merge (base_output += delta) ---
    return base_output + delta

if __name__ == "__main__":
    import jax
    _d = setup_inputs()
    print(jax.jit(kernel)(*tuple(_d.values())))

</pallas_src>

<mosaic_0001>
#map = affine_map<(d0, d1) -> (0)>
module attributes {stable_mosaic.version = 14 : i64} {
  func.func @_routing_call(%arg0: i32, %arg1: i32, %arg2: memref<512xf32, #tpu.memory_space<hbm>>, %arg3: memref<512xi32, #tpu.memory_space<hbm>>, %arg4: memref<4096xf32, #tpu.memory_space<hbm>>, %arg5: memref<32xf32, #tpu.memory_space<vmem>>, %arg6: memref<32xi32, #tpu.memory_space<vmem>>, %arg7: memref<256xf32, #tpu.memory_space<vmem>>) attributes {dimension_semantics = [#tpu.dimension_semantics<core_parallel>, #tpu.dimension_semantics<subcore_parallel>], iteration_bounds = array<i64: 2, 16>, scalar_prefetch = 0 : i64, scratch_operands = 3 : i64, tpu.core_type = #tpu.core_type<sc_vector_subcore>, window_params = [{transform_indices = #map}, {transform_indices = #map}, {transform_indices = #map}]} {
    %mul3A = arith.constant 2 : i32
    %mul3A_0 = arith.muli %arg1, %mul3A : i32
    %add3A = arith.addi %mul3A_0, %arg0 : i32
    %lt3A = arith.constant 16 : i32
    %lt3A_1 = arith.cmpi slt, %add3A, %lt3A : i32
    %convert_element_type3A = arith.extui %lt3A_1 : i1 to i32
    %cond3A = arith.constant 0 : i32
    %cond3A_2 = arith.cmpi ne, %convert_element_type3A, %cond3A : i32
    scf.if %cond3A_2 {
      %mul3A_3 = arith.constant 16 : i32
      %mul3A_4 = arith.muli %add3A, %mul3A_3 : i32
      %mul3A_5 = arith.constant 2 : i32
      %mul3A_6 = arith.muli %mul3A_5, %mul3A_4 : i32
      "tpu.region"() ({
        %run_scoped3A = tpu.sem_alloc : memref<!tpu.dma_semaphore, #tpu.memory_space<semaphore_mem>>
        %dma_start3A = tpu.memref_slice %arg2[%mul3A_6] : memref<512xf32, #tpu.memory_space<hbm>> -> memref<32xf32, #tpu.memory_space<hbm>>
        %dma_start3A_423 = tpu.memref_slice %arg2[%mul3A_6] : memref<512xf32, #tpu.memory_space<hbm>> -> memref<32xf32, #tpu.memory_space<hbm>>
        tpu.enqueue_dma source(%dma_start3A_423 : memref<32xf32, #tpu.memory_space<hbm>>) target(%arg5 : memref<32xf32, #tpu.memory_space<vmem>>) target_semaphore(%run_scoped3A : memref<!tpu.dma_semaphore, #tpu.memory_space<semaphore_mem>>)
        %dma_wait3A = tpu.memref_slice %arg2[%mul3A_6] : memref<512xf32, #tpu.memory_space<hbm>> -> memref<32xf32, #tpu.memory_space<hbm>>
        %dma_wait3A_424 = tpu.memref_slice %arg2[%mul3A_6] : memref<512xf32, #tpu.memory_space<hbm>> -> memref<32xf32, #tpu.memory_space<hbm>>
        tpu.wait_dma2 semaphore(%run_scoped3A : memref<!tpu.dma_semaphore, #tpu.memory_space<semaphore_mem>>) src(%dma_wait3A_424 : memref<32xf32, #tpu.memory_space<hbm>>) dst(%arg5 : memref<32xf32, #tpu.memory_space<vmem>>)
        tpu.yield
      }) : () -> ()
      %mul3A_7 = arith.constant 2 : i32
      %mul3A_8 = arith.muli %mul3A_7, %mul3A_4 : i32
      "tpu.region"() ({
        %run_scoped3A = tpu.sem_alloc : memref<!tpu.dma_semaphore, #tpu.memory_space<semaphore_mem>>
        %dma_start3A = tpu.memref_slice %arg3[%mul3A_8] : memref<512xi32, #tpu.memory_space<hbm>> -> memref<32xi32, #tpu.memory_space<hbm>>
        %dma_start3A_423 = tpu.memref_slice %arg3[%mul3A_8] : memref<512xi32, #tpu.memory_space<hbm>> -> memref<32xi32, #tpu.memory_space<hbm>>
        tpu.enqueue_dma source(%dma_start3A_423 : memref<32xi32, #tpu.memory_space<hbm>>) target(%arg6 : memref<32xi32, #tpu.memory_space<vmem>>) target_semaphore(%run_scoped3A : memref<!tpu.dma_semaphore, #tpu.memory_space<semaphore_mem>>)
        %dma_wait3A = tpu.memref_slice %arg3[%mul3A_8] : memref<512xi32, #tpu.memory_space<hbm>> -> memref<32xi32, #tpu.memory_space<hbm>>
        %dma_wait3A_424 = tpu.memref_slice %arg3[%mul3A_8] : memref<512xi32, #tpu.memory_space<hbm>> -> memref<32xi32, #tpu.memory_space<hbm>>
        tpu.wait_dma2 semaphore(%run_scoped3A : memref<!tpu.dma_semaphore, #tpu.memory_space<semaphore_mem>>) src(%dma_wait3A_424 : memref<32xi32, #tpu.memory_space<hbm>>) dst(%arg6 : memref<32xi32, #tpu.memory_space<vmem>>)
        tpu.yield
      }) : () -> ()
      %iota3A = tpu.iota {dimensions = array<i32: 0>} : vector<16xi32>
      %get3A = arith.constant 0 : index
      %get3A_9 = tpu.vector_load %arg5[%get3A] {strides = array<i32>} : memref<32xf32, #tpu.memory_space<vmem>>, vector<16xf32>,
      %get3A_10 = vector.shape_cast %get3A_9 : vector<16xf32> to vector<16xf32>
      %get3A_11 = arith.constant 16 : index
      %get3A_12 = tpu.vector_load %arg5[%get3A_11] {strides = array<i32>} : memref<32xf32, #tpu.memory_space<vmem>>, vector<16xf32>,
      %get3A_13 = vector.shape_cast %get3A_12 : vector<16xf32> to vector<16xf32>
      %get3A_14 = arith.constant 0 : index
      %get3A_15 = tpu.vector_load %arg6[%get3A_14] {strides = array<i32>} : memref<32xi32, #tpu.memory_space<vmem>>, vector<16xi32>,
      %get3A_16 = vector.shape_cast %get3A_15 : vector<16xi32> to vector<16xi32>
      %get3A_17 = arith.constant 16 : index
      %get3A_18 = tpu.vector_load %arg6[%get3A_17] {strides = array<i32>} : memref<32xi32, #tpu.memory_space<vmem>>, vector<16xi32>,
      %get3A_19 = vector.shape_cast %get3A_18 : vector<16xi32> to vector<16xi32>
      %add3A_20 = arith.addf %get3A_10, %get3A_13 : vector<16xf32>
      %add3A_21 = arith.constant 9.99999971E-10 : f32
      %add3A_22 = vector.broadcast %add3A_21 : f32 to vector<16xf32>
      %add3A_23 = arith.addf %add3A_20, %add3A_22 : vector<16xf32>
      %div3A = arith.constant 1.000000e+00 : f32
      %div3A_24 = vector.broadcast %div3A : f32 to vector<16xf32>
      %div3A_25 = arith.divf %div3A_24, %add3A_23 : vector<16xf32>
      %mul3A_26 = arith.mulf %get3A_10, %div3A_25 : vector<16xf32>
      %mul3A_27 = arith.mulf %get3A_13, %div3A_25 : vector<16xf32>
      %slice3A = vector.extract_strided_slice %get3A_16 {offsets = [0], sizes = [1], strides = [1]} : vector<16xi32> to vector<1xi32>
      %squeeze3A = vector.extract %slice3A[0] : i32 from vector<1xi32>
      %eq3A = vector.broadcast %squeeze3A : i32 to vector<16xi32>
      %eq3A_28 = arith.cmpi eq, %iota3A, %eq3A : vector<16xi32>
      %slice3A_29 = vector.extract_strided_slice %mul3A_26 {offsets = [0], sizes = [1], strides = [1]} : vector<16xf32> to vector<1xf32>
      %squeeze3A_30 = vector.extract %slice3A_29[0] : f32 from vector<1xf32>
      %jit3A = arith.constant 0.000000e+00 : f32
      %broadcast_in_dim3A = vector.broadcast %squeeze3A_30 : f32 to vector<16xf32>
      %broadcast_in_dim3A_31 = vector.broadcast %jit3A : f32 to vector<16xf32>
      %select_n3A = arith.select %eq3A_28, %broadcast_in_dim3A, %broadcast_in_dim3A_31 : vector<16xi1>, vector<16xf32>
      %slice3A_32 = vector.extract_strided_slice %get3A_19 {offsets = [0], sizes = [1], strides = [1]} : vector<16xi32> to vector<1xi32>
      %squeeze3A_33 = vector.extract %slice3A_32[0] : i32 from vector<1xi32>
      %eq3A_34 = vector.broadcast %squeeze3A_33 : i32 to vector<16xi32>
      %eq3A_35 = arith.cmpi eq, %iota3A, %eq3A_34 : vector<16xi32>
      %slice3A_36 = vector.extract_strided_slice %mul3A_27 {offsets = [0], sizes = [1], strides = [1]} : vector<16xf32> to vector<1xf32>
      %squeeze3A_37 = vector.extract %slice3A_36[0] : f32 from vector<1xf32>
      %jit3A_38 = arith.constant 0.000000e+00 : f32
      %broadcast_in_dim3A_39 = vector.broadcast %squeeze3A_37 : f32 to vector<16xf32>
      %broadcast_in_dim3A_40 = vector.broadcast %jit3A_38 : f32 to vector<16xf32>
      %select_n3A_41 = arith.select %eq3A_35, %broadcast_in_dim3A_39, %broadcast_in_dim3A_40 : vector<16xi1>, vector<16xf32>
      %add3A_42 = arith.addf %select_n3A, %select_n3A_41 : vector<16xf32>
      %swap3A = arith.constant 0 : index
      %swap3A_43 = tpu.vector_load %arg7[%swap3A] {strides = array<i32>} : memref<256xf32, #tpu.memory_space<vmem>>, vector<16xf32>,
      %swap3A_44 = vector.shape_cast %swap3A_43 : vector<16xf32> to vector<16xf32>
      %swap3A_45 = vector.shape_cast %add3A_42 : vector<16xf32> to vector<16xf32>
      tpu.vector_store %arg7[%swap3A], %swap3A_45 {strides = array<i32>} : memref<256xf32, #tpu.memory_space<vmem>>, vector<16xf32>,
      %slice3A_46 = vector.extract_strided_slice %get3A_16 {offsets = [1], sizes = [1], strides = [1]} : vector<16xi32> to vector<1xi32>
      %squeeze3A_47 = vector.extract %slice3A_46[0] : i32 from vector<1xi32>
      %eq3A_48 = vector.broadcast %squeeze3A_47 : i32 to vector<16xi32>
      %eq3A_49 = arith.cmpi eq, %iota3A, %eq3A_48 : vector<16xi32>
      %slice3A_50 = vector.extract_strided_slice %mul3A_26 {offsets = [1], sizes = [1], strides = [1]} : vector<16xf32> to vector<1xf32>
      %squeeze3A_51 = vector.extract %slice3A_50[0] : f32 from vector<1xf32>
      %jit3A_52 = arith.constant 0.000000e+00 : f32
      %broadcast_in_dim3A_53 = vector.broadcast %squeeze3A_51 : f32 to vector<16xf32>
      %broadcast_in_dim3A_54 = vector.broadcast %jit3A_52 : f32 to vector<16xf32>
      %select_n3A_55 = arith.select %eq3A_49, %broadcast_in_dim3A_53, %broadcast_in_dim3A_54 : vector<16xi1>, vector<16xf32>
      %slice3A_56 = vector.extract_strided_slice %get3A_19 {offsets = [1], sizes = [1], strides = [1]} : vector<16xi32> to vector<1xi32>
      %squeeze3A_57 = vector.extract %slice3A_56[0] : i32 from vector<1xi32>
      %eq3A_58 = vector.broadcast %squeeze3A_57 : i32 to vector<16xi32>
      %eq3A_59 = arith.cmpi eq, %iota3A, %eq3A_58 : vector<16xi32>
      %slice3A_60 = vector.extract_strided_slice %mul3A_27 {offsets = [1], sizes = [1], strides = [1]} : vector<16xf32> to vector<1xf32>
      %squeeze3A_61 = vector.extract %slice3A_60[0] : f32 from vector<1xf32>
      %jit3A_62 = arith.constant 0.000000e+00 : f32
      %broadcast_in_dim3A_63 = vector.broadcast %squeeze3A_61 : f32 to vector<16xf32>
      %broadcast_in_dim3A_64 = vector.broadcast %jit3A_62 : f32 to vector<16xf32>
      %select_n3A_65 = arith.select %eq3A_59, %broadcast_in_dim3A_63, %broadcast_in_dim3A_64 : vector<16xi1>, vector<16xf32>
      %add3A_66 = arith.addf %select_n3A_55, %select_n3A_65 : vector<16xf32>
      %swap3A_67 = arith.constant 16 : index
      %swap3A_68 = tpu.vector_load %arg7[%swap3A_67] {strides = array<i32>} : memref<256xf32, #tpu.memory_space<vmem>>, vector<16xf32>,
      %swap3A_69 = vector.shape_cast %swap3A_68 : vector<16xf32> to vector<16xf32>
      %swap3A_70 = vector.shape_cast %add3A_66 : vector<16xf32> to vector<16xf32>
      tpu.vector_store %arg7[%swap3A_67], %swap3A_70 {strides = array<i32>} : memref<256xf32, #tpu.memory_space<vmem>>, vector<16xf32>,
      %slice3A_71 = vector.extract_strided_slice %get3A_16 {offsets = [2], sizes = [1], strides = [1]} : vector<16xi32> to vector<1xi32>
      %squeeze3A_72 = vector.extract %slice3A_71[0] : i32 from vector<1xi32>
      %eq3A_73 = vector.broadcast %squeeze3A_72 : i32 to vector<16xi32>
      %eq3A_74 = arith.cmpi eq, %iota3A, %eq3A_73 : vector<16xi32>
      %slice3A_75 = vector.extract_strided_slice %mul3A_26 {offsets = [2], sizes = [1], strides = [1]} : vector<16xf32> to vector<1xf32>
      %squeeze3A_76 = vector.extract %slice3A_75[0] : f32 from vector<1xf32>
      %jit3A_77 = arith.constant 0.000000e+00 : f32
      %broadcast_in_dim3A_78 = vector.broadcast %squeeze3A_76 : f32 to vector<16xf32>
      %broadcast_in_dim3A_79 = vector.broadcast %jit3A_77 : f32 to vector<16xf32>
      %select_n3A_80 = arith.select %eq3A_74, %broadcast_in_dim3A_78, %broadcast_in_dim3A_79 : vector<16xi1>, vector<16xf32>
      %slice3A_81 = vector.extract_strided_slice %get3A_19 {offsets = [2], sizes = [1], strides = [1]} : vector<16xi32> to vector<1xi32>
      %squeeze3A_82 = vector.extract %slice3A_81[0] : i32 from vector<1xi32>
      %eq3A_83 = vector.broadcast %squeeze3A_82 : i32 to vector<16xi32>
      %eq3A_84 = arith.cmpi eq, %iota3A, %eq3A_83 : vector<16xi32>
      %slice3A_85 = vector.extract_strided_slice %mul3A_27 {offsets = [2], sizes = [1], strides = [1]} : vector<16xf32> to vector<1xf32>
      %squeeze3A_86 = vector.extract %slice3A_85[0] : f32 from vector<1xf32>
      %jit3A_87 = arith.constant 0.000000e+00 : f32
      %broadcast_in_dim3A_88 = vector.broadcast %squeeze3A_86 : f32 to vector<16xf32>
      %broadcast_in_dim3A_89 = vector.broadcast %jit3A_87 : f32 to vector<16xf32>
      %select_n3A_90 = arith.select %eq3A_84, %broadcast_in_dim3A_88, %broadcast_in_dim3A_89 : vector<16xi1>, vector<16xf32>
      %add3A_91 = arith.addf %select_n3A_80, %select_n3A_90 : vector<16xf32>
      %swap3A_92 = arith.constant 32 : index
      %swap3A_93 = tpu.vector_load %arg7[%swap3A_92] {strides = array<i32>} : memref<256xf32, #tpu.memory_space<vmem>>, vector<16xf32>,
      %swap3A_94 = vector.shape_cast %swap3A_93 : vector<16xf32> to vector<16xf32>
      %swap3A_95 = vector.shape_cast %add3A_91 : vector<16xf32> to vector<16xf32>
      tpu.vector_store %arg7[%swap3A_92], %swap3A_95 {strides = array<i32>} : memref<256xf32, #tpu.memory_space<vmem>>, vector<16xf32>,
      %slice3A_96 = vector.extract_strided_slice %get3A_16 {offsets = [3], sizes = [1], strides = [1]} : vector<16xi32> to vector<1xi32>
      %squeeze3A_97 = vector.extract %slice3A_96[0] : i32 from vector<1xi32>
      %eq3A_98 = vector.broadcast %squeeze3A_97 : i32 to vector<16xi32>
      %eq3A_99 = arith.cmpi eq, %iota3A, %eq3A_98 : vector<16xi32>
      %slice3A_100 = vector.extract_strided_slice %mul3A_26 {offsets = [3], sizes = [1], strides = [1]} : vector<16xf32> to vector<1xf32>
      %squeeze3A_101 = vector.extract %slice3A_100[0] : f32 from vector<1xf32>
      %jit3A_102 = arith.constant 0.000000e+00 : f32
      %broadcast_in_dim3A_103 = vector.broadcast %squeeze3A_101 : f32 to vector<16xf32>
      %broadcast_in_dim3A_104 = vector.broadcast %jit3A_102 : f32 to vector<16xf32>
      %select_n3A_105 = arith.select %eq3A_99, %broadcast_in_dim3A_103, %broadcast_in_dim3A_104 : vector<16xi1>, vector<16xf32>
      %slice3A_106 = vector.extract_strided_slice %get3A_19 {offsets = [3], sizes = [1], strides = [1]} : vector<16xi32> to vector<1xi32>
      %squeeze3A_107 = vector.extract %slice3A_106[0] : i32 from vector<1xi32>
      %eq3A_108 = vector.broadcast %squeeze3A_107 : i32 to vector<16xi32>
      %eq3A_109 = arith.cmpi eq, %iota3A, %eq3A_108 : vector<16xi32>
      %slice3A_110 = vector.extract_strided_slice %mul3A_27 {offsets = [3], sizes = [1], strides = [1]} : vector<16xf32> to vector<1xf32>
      %squeeze3A_111 = vector.extract %slice3A_110[0] : f32 from vector<1xf32>
      %jit3A_112 = arith.constant 0.000000e+00 : f32
      %broadcast_in_dim3A_113 = vector.broadcast %squeeze3A_111 : f32 to vector<16xf32>
      %broadcast_in_dim3A_114 = vector.broadcast %jit3A_112 : f32 to vector<16xf32>
      %select_n3A_115 = arith.select %eq3A_109, %broadcast_in_dim3A_113, %broadcast_in_dim3A_114 : vector<16xi1>, vector<16xf32>
      %add3A_116 = arith.addf %select_n3A_105, %select_n3A_115 : vector<16xf32>
      %swap3A_117 = arith.constant 48 : index
      %swap3A_118 = tpu.vector_load %arg7[%swap3A_117] {strides = array<i32>} : memref<256xf32, #tpu.memory_space<vmem>>, vector<16xf32>,
      %swap3A_119 = vector.shape_cast %swap3A_118 : vector<16xf32> to vector<16xf32>
      %swap3A_120 = vector.shape_cast %add3A_116 : vector<16xf32> to vector<16xf32>
      tpu.vector_store %arg7[%swap3A_117], %swap3A_120 {strides = array<i32>} : memref<256xf32, #tpu.memory_space<vmem>>, vector<16xf32>,
      %slice3A_121 = vector.extract_strided_slice %get3A_16 {offsets = [4], sizes = [1], strides = [1]} : vector<16xi32> to vector<1xi32>
      %squeeze3A_122 = vector.extract %slice3A_121[0] : i32 from vector<1xi32>
      %eq3A_123 = vector.broadcast %squeeze3A_122 : i32 to vector<16xi32>
      %eq3A_124 = arith.cmpi eq, %iota3A, %eq3A_123 : vector<16xi32>
      %slice3A_125 = vector.extract_strided_slice %mul3A_26 {offsets = [4], sizes = [1], strides = [1]} : vector<16xf32> to vector<1xf32>
      %squeeze3A_126 = vector.extract %slice3A_125[0] : f32 from vector<1xf32>
      %jit3A_127 = arith.constant 0.000000e+00 : f32
      %broadcast_in_dim3A_128 = vector.broadcast %squeeze3A_126 : f32 to vector<16xf32>
      %broadcast_in_dim3A_129 = vector.broadcast %jit3A_127 : f32 to vector<16xf32>
      %select_n3A_130 = arith.select %eq3A_124, %broadcast_in_dim3A_128, %broadcast_in_dim3A_129 : vector<16xi1>, vector<16xf32>
      %slice3A_131 = vector.extract_strided_slice %get3A_19 {offsets = [4], sizes = [1], strides = [1]} : vector<16xi32> to vector<1xi32>
      %squeeze3A_132 = vector.extract %slice3A_131[0] : i32 from vector<1xi32>
      %eq3A_133 = vector.broadcast %squeeze3A_132 : i32 to vector<16xi32>
      %eq3A_134 = arith.cmpi eq, %iota3A, %eq3A_133 : vector<16xi32>
      %slice3A_135 = vector.extract_strided_slice %mul3A_27 {offsets = [4], sizes = [1], strides = [1]} : vector<16xf32> to vector<1xf32>
      %squeeze3A_136 = vector.extract %slice3A_135[0] : f32 from vector<1xf32>
      %jit3A_137 = arith.constant 0.000000e+00 : f32
      %broadcast_in_dim3A_138 = vector.broadcast %squeeze3A_136 : f32 to vector<16xf32>
      %broadcast_in_dim3A_139 = vector.broadcast %jit3A_137 : f32 to vector<16xf32>
      %select_n3A_140 = arith.select %eq3A_134, %broadcast_in_dim3A_138, %broadcast_in_dim3A_139 : vector<16xi1>, vector<16xf32>
      %add3A_141 = arith.addf %select_n3A_130, %select_n3A_140 : vector<16xf32>
      %swap3A_142 = arith.constant 64 : index
      %swap3A_143 = tpu.vector_load %arg7[%swap3A_142] {strides = array<i32>} : memref<256xf32, #tpu.memory_space<vmem>>, vector<16xf32>,
      %swap3A_144 = vector.shape_cast %swap3A_143 : vector<16xf32> to vector<16xf32>
      %swap3A_145 = vector.shape_cast %add3A_141 : vector<16xf32> to vector<16xf32>
      tpu.vector_store %arg7[%swap3A_142], %swap3A_145 {strides = array<i32>} : memref<256xf32, #tpu.memory_space<vmem>>, vector<16xf32>,
      %slice3A_146 = vector.extract_strided_slice %get3A_16 {offsets = [5], sizes = [1], strides = [1]} : vector<16xi32> to vector<1xi32>
      %squeeze3A_147 = vector.extract %slice3A_146[0] : i32 from vector<1xi32>
      %eq3A_148 = vector.broadcast %squeeze3A_147 : i32 to vector<16xi32>
      %eq3A_149 = arith.cmpi eq, %iota3A, %eq3A_148 : vector<16xi32>
      %slice3A_150 = vector.extract_strided_slice %mul3A_26 {offsets = [5], sizes = [1], strides = [1]} : vector<16xf32> to vector<1xf32>
      %squeeze3A_151 = vector.extract %slice3A_150[0] : f32 from vector<1xf32>
      %jit3A_152 = arith.constant 0.000000e+00 : f32
      %broadcast_in_dim3A_153 = vector.broadcast %squeeze3A_151 : f32 to vector<16xf32>
      %broadcast_in_dim3A_154 = vector.broadcast %jit3A_152 : f32 to vector<16xf32>
      %select_n3A_155 = arith.select %eq3A_149, %broadcast_in_dim3A_153, %broadcast_in_dim3A_154 : vector<16xi1>, vector<16xf32>
      %slice3A_156 = vector.extract_strided_slice %get3A_19 {offsets = [5], sizes = [1], strides = [1]} : vector<16xi32> to vector<1xi32>
      %squeeze3A_157 = vector.extract %slice3A_156[0] : i32 from vector<1xi32>
      %eq3A_158 = vector.broadcast %squeeze3A_157 : i32 to vector<16xi32>
      %eq3A_159 = arith.cmpi eq, %iota3A, %eq3A_158 : vector<16xi32>
      %slice3A_160 = vector.extract_strided_slice %mul3A_27 {offsets = [5], sizes = [1], strides = [1]} : vector<16xf32> to vector<1xf32>
      %squeeze3A_161 = vector.extract %slice3A_160[0] : f32 from vector<1xf32>
      %jit3A_162 = arith.constant 0.000000e+00 : f32
      %broadcast_in_dim3A_163 = vector.broadcast %squeeze3A_161 : f32 to vector<16xf32>
      %broadcast_in_dim3A_164 = vector.broadcast %jit3A_162 : f32 to vector<16xf32>
      %select_n3A_165 = arith.select %eq3A_159, %broadcast_in_dim3A_163, %broadcast_in_dim3A_164 : vector<16xi1>, vector<16xf32>
      %add3A_166 = arith.addf %select_n3A_155, %select_n3A_165 : vector<16xf32>
      %swap3A_167 = arith.constant 80 : index
      %swap3A_168 = tpu.vector_load %arg7[%swap3A_167] {strides = array<i32>} : memref<256xf32, #tpu.memory_space<vmem>>, vector<16xf32>,
      %swap3A_169 = vector.shape_cast %swap3A_168 : vector<16xf32> to vector<16xf32>
      %swap3A_170 = vector.shape_cast %add3A_166 : vector<16xf32> to vector<16xf32>
      tpu.vector_store %arg7[%swap3A_167], %swap3A_170 {strides = array<i32>} : memref<256xf32, #tpu.memory_space<vmem>>, vector<16xf32>,
      %slice3A_171 = vector.extract_strided_slice %get3A_16 {offsets = [6], sizes = [1], strides = [1]} : vector<16xi32> to vector<1xi32>
      %squeeze3A_172 = vector.extract %slice3A_171[0] : i32 from vector<1xi32>
      %eq3A_173 = vector.broadcast %squeeze3A_172 : i32 to vector<16xi32>
      %eq3A_174 = arith.cmpi eq, %iota3A, %eq3A_173 : vector<16xi32>
      %slice3A_175 = vector.extract_strided_slice %mul3A_26 {offsets = [6], sizes = [1], strides = [1]} : vector<16xf32> to vector<1xf32>
      %squeeze3A_176 = vector.extract %slice3A_175[0] : f32 from vector<1xf32>
      %jit3A_177 = arith.constant 0.000000e+00 : f32
      %broadcast_in_dim3A_178 = vector.broadcast %squeeze3A_176 : f32 to vector<16xf32>
      %broadcast_in_dim3A_179 = vector.broadcast %jit3A_177 : f32 to vector<16xf32>
      %select_n3A_180 = arith.select %eq3A_174, %broadcast_in_dim3A_178, %broadcast_in_dim3A_179 : vector<16xi1>, vector<16xf32>
      %slice3A_181 = vector.extract_strided_slice %get3A_19 {offsets = [6], sizes = [1], strides = [1]} : vector<16xi32> to vector<1xi32>
      %squeeze3A_182 = vector.extract %slice3A_181[0] : i32 from vector<1xi32>
      %eq3A_183 = vector.broadcast %squeeze3A_182 : i32 to vector<16xi32>
      %eq3A_184 = arith.cmpi eq, %iota3A, %eq3A_183 : vector<16xi32>
      %slice3A_185 = vector.extract_strided_slice %mul3A_27 {offsets = [6], sizes = [1], strides = [1]} : vector<16xf32> to vector<1xf32>
      %squeeze3A_186 = vector.extract %slice3A_185[0] : f32 from vector<1xf32>
      %jit3A_187 = arith.constant 0.000000e+00 : f32
      %broadcast_in_dim3A_188 = vector.broadcast %squeeze3A_186 : f32 to vector<16xf32>
      %broadcast_in_dim3A_189 = vector.broadcast %jit3A_187 : f32 to vector<16xf32>
      %select_n3A_190 = arith.select %eq3A_184, %broadcast_in_dim3A_188, %broadcast_in_dim3A_189 : vector<16xi1>, vector<16xf32>
      %add3A_191 = arith.addf %select_n3A_180, %select_n3A_190 : vector<16xf32>
      %swap3A_192 = arith.constant 96 : index
      %swap3A_193 = tpu.vector_load %arg7[%swap3A_192] {strides = array<i32>} : memref<256xf32, #tpu.memory_space<vmem>>, vector<16xf32>,
      %swap3A_194 = vector.shape_cast %swap3A_193 : vector<16xf32> to vector<16xf32>
      %swap3A_195 = vector.shape_cast %add3A_191 : vector<16xf32> to vector<16xf32>
      tpu.vector_store %arg7[%swap3A_192], %swap3A_195 {strides = array<i32>} : memref<256xf32, #tpu.memory_space<vmem>>, vector<16xf32>,
      %slice3A_196 = vector.extract_strided_slice %get3A_16 {offsets = [7], sizes = [1], strides = [1]} : vector<16xi32> to vector<1xi32>
      %squeeze3A_197 = vector.extract %slice3A_196[0] : i32 from vector<1xi32>
      %eq3A_198 = vector.broadcast %squeeze3A_197 : i32 to vector<16xi32>
      %eq3A_199 = arith.cmpi eq, %iota3A, %eq3A_198 : vector<16xi32>
      %slice3A_200 = vector.extract_strided_slice %mul3A_26 {offsets = [7], sizes = [1], strides = [1]} : vector<16xf32> to vector<1xf32>
      %squeeze3A_201 = vector.extract %slice3A_200[0] : f32 from vector<1xf32>
      %jit3A_202 = arith.constant 0.000000e+00 : f32
      %broadcast_in_dim3A_203 = vector.broadcast %squeeze3A_201 : f32 to vector<16xf32>
      %broadcast_in_dim3A_204 = vector.broadcast %jit3A_202 : f32 to vector<16xf32>
      %select_n3A_205 = arith.select %eq3A_199, %broadcast_in_dim3A_203, %broadcast_in_dim3A_204 : vector<16xi1>, vector<16xf32>
      %slice3A_206 = vector.extract_strided_slice %get3A_19 {offsets = [7], sizes = [1], strides = [1]} : vector<16xi32> to vector<1xi32>
      %squeeze3A_207 = vector.extract %slice3A_206[0] : i32 from vector<1xi32>
      %eq3A_208 = vector.broadcast %squeeze3A_207 : i32 to vector<16xi32>
      %eq3A_209 = arith.cmpi eq, %iota3A, %eq3A_208 : vector<16xi32>
      %slice3A_210 = vector.extract_strided_slice %mul3A_27 {offsets = [7], sizes = [1], strides = [1]} : vector<16xf32> to vector<1xf32>
      %squeeze3A_211 = vector.extract %slice3A_210[0] : f32 from vector<1xf32>
      %jit3A_212 = arith.constant 0.000000e+00 : f32
      %broadcast_in_dim3A_213 = vector.broadcast %squeeze3A_211 : f32 to vector<16xf32>
      %broadcast_in_dim3A_214 = vector.broadcast %jit3A_212 : f32 to vector<16xf32>
      %select_n3A_215 = arith.select %eq3A_209, %broadcast_in_dim3A_213, %broadcast_in_dim3A_214 : vector<16xi1>, vector<16xf32>
      %add3A_216 = arith.addf %select_n3A_205, %select_n3A_215 : vector<16xf32>
      %swap3A_217 = arith.constant 112 : index
      %swap3A_218 = tpu.vector_load %arg7[%swap3A_217] {strides = array<i32>} : memref<256xf32, #tpu.memory_space<vmem>>, vector<16xf32>,
      %swap3A_219 = vector.shape_cast %swap3A_218 : vector<16xf32> to vector<16xf32>
      %swap3A_220 = vector.shape_cast %add3A_216 : vector<16xf32> to vector<16xf32>
      tpu.vector_store %arg7[%swap3A_217], %swap3A_220 {strides = array<i32>} : memref<256xf32, #tpu.memory_space<vmem>>, vector<16xf32>,
      %slice3A_221 = vector.extract_strided_slice %get3A_16 {offsets = [8], sizes = [1], strides = [1]} : vector<16xi32> to vector<1xi32>
      %squeeze3A_222 = vector.extract %slice3A_221[0] : i32 from vector<1xi32>
      %eq3A_223 = vector.broadcast %squeeze3A_222 : i32 to vector<16xi32>
      %eq3A_224 = arith.cmpi eq, %iota3A, %eq3A_223 : vector<16xi32>
      %slice3A_225 = vector.extract_strided_slice %mul3A_26 {offsets = [8], sizes = [1], strides = [1]} : vector<16xf32> to vector<1xf32>
      %squeeze3A_226 = vector.extract %slice3A_225[0] : f32 from vector<1xf32>
      %jit3A_227 = arith.constant 0.000000e+00 : f32
      %broadcast_in_dim3A_228 = vector.broadcast %squeeze3A_226 : f32 to vector<16xf32>
      %broadcast_in_dim3A_229 = vector.broadcast %jit3A_227 : f32 to vector<16xf32>
      %select_n3A_230 = arith.select %eq3A_224, %broadcast_in_dim3A_228, %broadcast_in_dim3A_229 : vector<16xi1>, vector<16xf32>
      %slice3A_231 = vector.extract_strided_slice %get3A_19 {offsets = [8], sizes = [1], strides = [1]} : vector<16xi32> to vector<1xi32>
      %squeeze3A_232 = vector.extract %slice3A_231[0] : i32 from vector<1xi32>
      %eq3A_233 = vector.broadcast %squeeze3A_232 : i32 to vector<16xi32>
      %eq3A_234 = arith.cmpi eq, %iota3A, %eq3A_233 : vector<16xi32>
      %slice3A_235 = vector.extract_strided_slice %mul3A_27 {offsets = [8], sizes = [1], strides = [1]} : vector<16xf32> to vector<1xf32>
      %squeeze3A_236 = vector.extract %slice3A_235[0] : f32 from vector<1xf32>
      %jit3A_237 = arith.constant 0.000000e+00 : f32
      %broadcast_in_dim3A_238 = vector.broadcast %squeeze3A_236 : f32 to vector<16xf32>
      %broadcast_in_dim3A_239 = vector.broadcast %jit3A_237 : f32 to vector<16xf32>
      %select_n3A_240 = arith.select %eq3A_234, %broadcast_in_dim3A_238, %broadcast_in_dim3A_239 : vector<16xi1>, vector<16xf32>
      %add3A_241 = arith.addf %select_n3A_230, %select_n3A_240 : vector<16xf32>
      %swap3A_242 = arith.constant 128 : index
      %swap3A_243 = tpu.vector_load %arg7[%swap3A_242] {strides = array<i32>} : memref<256xf32, #tpu.memory_space<vmem>>, vector<16xf32>,
      %swap3A_244 = vector.shape_cast %swap3A_243 : vector<16xf32> to vector<16xf32>
      %swap3A_245 = vector.shape_cast %add3A_241 : vector<16xf32> to vector<16xf32>
      tpu.vector_store %arg7[%swap3A_242], %swap3A_245 {strides = array<i32>} : memref<256xf32, #tpu.memory_space<vmem>>, vector<16xf32>,
      %slice3A_246 = vector.extract_strided_slice %get3A_16 {offsets = [9], sizes = [1], strides = [1]} : vector<16xi32> to vector<1xi32>
      %squeeze3A_247 = vector.extract %slice3A_246[0] : i32 from vector<1xi32>
      %eq3A_248 = vector.broadcast %squeeze3A_247 : i32 to vector<16xi32>
      %eq3A_249 = arith.cmpi eq, %iota3A, %eq3A_248 : vector<16xi32>
      %slice3A_250 = vector.extract_strided_slice %mul3A_26 {offsets = [9], sizes = [1], strides = [1]} : vector<16xf32> to vector<1xf32>
      %squeeze3A_251 = vector.extract %slice3A_250[0] : f32 from vector<1xf32>
      %jit3A_252 = arith.constant 0.000000e+00 : f32
      %broadcast_in_dim3A_253 = vector.broadcast %squeeze3A_251 : f32 to vector<16xf32>
      %broadcast_in_dim3A_254 = vector.broadcast %jit3A_252 : f32 to vector<16xf32>
      %select_n3A_255 = arith.select %eq3A_249, %broadcast_in_dim3A_253, %broadcast_in_dim3A_254 : vector<16xi1>, vector<16xf32>
      %slice3A_256 = vector.extract_strided_slice %get3A_19 {offsets = [9], sizes = [1], strides = [1]} : vector<16xi32> to vector<1xi32>
      %squeeze3A_257 = vector.extract %slice3A_256[0] : i32 from vector<1xi32>
      %eq3A_258 = vector.broadcast %squeeze3A_257 : i32 to vector<16xi32>
      %eq3A_259 = arith.cmpi eq, %iota3A, %eq3A_258 : vector<16xi32>
      %slice3A_260 = vector.extract_strided_slice %mul3A_27 {offsets = [9], sizes = [1], strides = [1]} : vector<16xf32> to vector<1xf32>
      %squeeze3A_261 = vector.extract %slice3A_260[0] : f32 from vector<1xf32>
      %jit3A_262 = arith.constant 0.000000e+00 : f32
      %broadcast_in_dim3A_263 = vector.broadcast %squeeze3A_261 : f32 to vector<16xf32>
      %broadcast_in_dim3A_264 = vector.broadcast %jit3A_262 : f32 to vector<16xf32>
      %select_n3A_265 = arith.select %eq3A_259, %broadcast_in_dim3A_263, %broadcast_in_dim3A_264 : vector<16xi1>, vector<16xf32>
      %add3A_266 = arith.addf %select_n3A_255, %select_n3A_265 : vector<16xf32>
      %swap3A_267 = arith.constant 144 : index
      %swap3A_268 = tpu.vector_load %arg7[%swap3A_267] {strides = array<i32>} : memref<256xf32, #tpu.memory_space<vmem>>, vector<16xf32>,
      %swap3A_269 = vector.shape_cast %swap3A_268 : vector<16xf32> to vector<16xf32>
      %swap3A_270 = vector.shape_cast %add3A_266 : vector<16xf32> to vector<16xf32>
      tpu.vector_store %arg7[%swap3A_267], %swap3A_270 {strides = array<i32>} : memref<256xf32, #tpu.memory_space<vmem>>, vector<16xf32>,
      %slice3A_271 = vector.extract_strided_slice %get3A_16 {offsets = [10], sizes = [1], strides = [1]} : vector<16xi32> to vector<1xi32>
      %squeeze3A_272 = vector.extract %slice3A_271[0] : i32 from vector<1xi32>
      %eq3A_273 = vector.broadcast %squeeze3A_272 : i32 to vector<16xi32>
      %eq3A_274 = arith.cmpi eq, %iota3A, %eq3A_273 : vector<16xi32>
      %slice3A_275 = vector.extract_strided_slice %mul3A_26 {offsets = [10], sizes = [1], strides = [1]} : vector<16xf32> to vector<1xf32>
      %squeeze3A_276 = vector.extract %slice3A_275[0] : f32 from vector<1xf32>
      %jit3A_277 = arith.constant 0.000000e+00 : f32
      %broadcast_in_dim3A_278 = vector.broadcast %squeeze3A_276 : f32 to vector<16xf32>
      %broadcast_in_dim3A_279 = vector.broadcast %jit3A_277 : f32 to vector<16xf32>
      %select_n3A_280 = arith.select %eq3A_274, %broadcast_in_dim3A_278, %broadcast_in_dim3A_279 : vector<16xi1>, vector<16xf32>
      %slice3A_281 = vector.extract_strided_slice %get3A_19 {offsets = [10], sizes = [1], strides = [1]} : vector<16xi32> to vector<1xi32>
      %squeeze3A_282 = vector.extract %slice3A_281[0] : i32 from vector<1xi32>
      %eq3A_283 = vector.broadcast %squeeze3A_282 : i32 to vector<16xi32>
      %eq3A_284 = arith.cmpi eq, %iota3A, %eq3A_283 : vector<16xi32>
      %slice3A_285 = vector.extract_strided_slice %mul3A_27 {offsets = [10], sizes = [1], strides = [1]} : vector<16xf32> to vector<1xf32>
      %squeeze3A_286 = vector.extract %slice3A_285[0] : f32 from vector<1xf32>
      %jit3A_287 = arith.constant 0.000000e+00 : f32
      %broadcast_in_dim3A_288 = vector.broadcast %squeeze3A_286 : f32 to vector<16xf32>
      %broadcast_in_dim3A_289 = vector.broadcast %jit3A_287 : f32 to vector<16xf32>
      %select_n3A_290 = arith.select %eq3A_284, %broadcast_in_dim3A_288, %broadcast_in_dim3A_289 : vector<16xi1>, vector<16xf32>
      %add3A_291 = arith.addf %select_n3A_280, %select_n3A_290 : vector<16xf32>
      %swap3A_292 = arith.constant 160 : index
      %swap3A_293 = tpu.vector_load %arg7[%swap3A_292] {strides = array<i32>} : memref<256xf32, #tpu.memory_space<vmem>>, vector<16xf32>,
      %swap3A_294 = vector.shape_cast %swap3A_293 : vector<16xf32> to vector<16xf32>
      %swap3A_295 = vector.shape_cast %add3A_291 : vector<16xf32> to vector<16xf32>
      tpu.vector_store %arg7[%swap3A_292], %swap3A_295 {strides = array<i32>} : memref<256xf32, #tpu.memory_space<vmem>>, vector<16xf32>,
      %slice3A_296 = vector.extract_strided_slice %get3A_16 {offsets = [11], sizes = [1], strides = [1]} : vector<16xi32> to vector<1xi32>
      %squeeze3A_297 = vector.extract %slice3A_296[0] : i32 from vector<1xi32>
      %eq3A_298 = vector.broadcast %squeeze3A_297 : i32 to vector<16xi32>
      %eq3A_299 = arith.cmpi eq, %iota3A, %eq3A_298 : vector<16xi32>
      %slice3A_300 = vector.extract_strided_slice %mul3A_26 {offsets = [11], sizes = [1], strides = [1]} : vector<16xf32> to vector<1xf32>
      %squeeze3A_301 = vector.extract %slice3A_300[0] : f32 from vector<1xf32>
      %jit3A_302 = arith.constant 0.000000e+00 : f32
      %broadcast_in_dim3A_303 = vector.broadcast %squeeze3A_301 : f32 to vector<16xf32>
      %broadcast_in_dim3A_304 = vector.broadcast %jit3A_302 : f32 to vector<16xf32>
      %select_n3A_305 = arith.select %eq3A_299, %broadcast_in_dim3A_303, %broadcast_in_dim3A_304 : vector<16xi1>, vector<16xf32>
      %slice3A_306 = vector.extract_strided_slice %get3A_19 {offsets = [11], sizes = [1], strides = [1]} : vector<16xi32> to vector<1xi32>
      %squeeze3A_307 = vector.extract %slice3A_306[0] : i32 from vector<1xi32>
      %eq3A_308 = vector.broadcast %squeeze3A_307 : i32 to vector<16xi32>
      %eq3A_309 = arith.cmpi eq, %iota3A, %eq3A_308 : vector<16xi32>
      %slice3A_310 = vector.extract_strided_slice %mul3A_27 {offsets = [11], sizes = [1], strides = [1]} : vector<16xf32> to vector<1xf32>
      %squeeze3A_311 = vector.extract %slice3A_310[0] : f32 from vector<1xf32>
      %jit3A_312 = arith.constant 0.000000e+00 : f32
      %broadcast_in_dim3A_313 = vector.broadcast %squeeze3A_311 : f32 to vector<16xf32>
      %broadcast_in_dim3A_314 = vector.broadcast %jit3A_312 : f32 to vector<16xf32>
      %select_n3A_315 = arith.select %eq3A_309, %broadcast_in_dim3A_313, %broadcast_in_dim3A_314 : vector<16xi1>, vector<16xf32>
      %add3A_316 = arith.addf %select_n3A_305, %select_n3A_315 : vector<16xf32>
      %swap3A_317 = arith.constant 176 : index
      %swap3A_318 = tpu.vector_load %arg7[%swap3A_317] {strides = array<i32>} : memref<256xf32, #tpu.memory_space<vmem>>, vector<16xf32>,
      %swap3A_319 = vector.shape_cast %swap3A_318 : vector<16xf32> to vector<16xf32>
      %swap3A_320 = vector.shape_cast %add3A_316 : vector<16xf32> to vector<16xf32>
      tpu.vector_store %arg7[%swap3A_317], %swap3A_320 {strides = array<i32>} : memref<256xf32, #tpu.memory_space<vmem>>, vector<16xf32>,
      %slice3A_321 = vector.extract_strided_slice %get3A_16 {offsets = [12], sizes = [1], strides = [1]} : vector<16xi32> to vector<1xi32>
      %squeeze3A_322 = vector.extract %slice3A_321[0] : i32 from vector<1xi32>
      %eq3A_323 = vector.broadcast %squeeze3A_322 : i32 to vector<16xi32>
      %eq3A_324 = arith.cmpi eq, %iota3A, %eq3A_323 : vector<16xi32>
      %slice3A_325 = vector.extract_strided_slice %mul3A_26 {offsets = [12], sizes = [1], strides = [1]} : vector<16xf32> to vector<1xf32>
      %squeeze3A_326 = vector.extract %slice3A_325[0] : f32 from vector<1xf32>
      %jit3A_327 = arith.constant 0.000000e+00 : f32
      %broadcast_in_dim3A_328 = vector.broadcast %squeeze3A_326 : f32 to vector<16xf32>
      %broadcast_in_dim3A_329 = vector.broadcast %jit3A_327 : f32 to vector<16xf32>
      %select_n3A_330 = arith.select %eq3A_324, %broadcast_in_dim3A_328, %broadcast_in_dim3A_329 : vector<16xi1>, vector<16xf32>
      %slice3A_331 = vector.extract_strided_slice %get3A_19 {offsets = [12], sizes = [1], strides = [1]} : vector<16xi32> to vector<1xi32>
      %squeeze3A_332 = vector.extract %slice3A_331[0] : i32 from vector<1xi32>
      %eq3A_333 = vector.broadcast %squeeze3A_332 : i32 to vector<16xi32>
      %eq3A_334 = arith.cmpi eq, %iota3A, %eq3A_333 : vector<16xi32>
      %slice3A_335 = vector.extract_strided_slice %mul3A_27 {offsets = [12], sizes = [1], strides = [1]} : vector<16xf32> to vector<1xf32>
      %squeeze3A_336 = vector.extract %slice3A_335[0] : f32 from vector<1xf32>
      %jit3A_337 = arith.constant 0.000000e+00 : f32
      %broadcast_in_dim3A_338 = vector.broadcast %squeeze3A_336 : f32 to vector<16xf32>
      %broadcast_in_dim3A_339 = vector.broadcast %jit3A_337 : f32 to vector<16xf32>
      %select_n3A_340 = arith.select %eq3A_334, %broadcast_in_dim3A_338, %broadcast_in_dim3A_339 : vector<16xi1>, vector<16xf32>
      %add3A_341 = arith.addf %select_n3A_330, %select_n3A_340 : vector<16xf32>
      %swap3A_342 = arith.constant 192 : index
      %swap3A_343 = tpu.vector_load %arg7[%swap3A_342] {strides = array<i32>} : memref<256xf32, #tpu.memory_space<vmem>>, vector<16xf32>,
      %swap3A_344 = vector.shape_cast %swap3A_343 : vector<16xf32> to vector<16xf32>
      %swap3A_345 = vector.shape_cast %add3A_341 : vector<16xf32> to vector<16xf32>
      tpu.vector_store %arg7[%swap3A_342], %swap3A_345 {strides = array<i32>} : memref<256xf32, #tpu.memory_space<vmem>>, vector<16xf32>,
      %slice3A_346 = vector.extract_strided_slice %get3A_16 {offsets = [13], sizes = [1], strides = [1]} : vector<16xi32> to vector<1xi32>
      %squeeze3A_347 = vector.extract %slice3A_346[0] : i32 from vector<1xi32>
      %eq3A_348 = vector.broadcast %squeeze3A_347 : i32 to vector<16xi32>
      %eq3A_349 = arith.cmpi eq, %iota3A, %eq3A_348 : vector<16xi32>
      %slice3A_350 = vector.extract_strided_slice %mul3A_26 {offsets = [13], sizes = [1], strides = [1]} : vector<16xf32> to vector<1xf32>
      %squeeze3A_351 = vector.extract %slice3A_350[0] : f32 from vector<1xf32>
      %jit3A_352 = arith.constant 0.000000e+00 : f32
      %broadcast_in_dim3A_353 = vector.broadcast %squeeze3A_351 : f32 to vector<16xf32>
      %broadcast_in_dim3A_354 = vector.broadcast %jit3A_352 : f32 to vector<16xf32>
      %select_n3A_355 = arith.select %eq3A_349, %broadcast_in_dim3A_353, %broadcast_in_dim3A_354 : vector<16xi1>, vector<16xf32>
      %slice3A_356 = vector.extract_strided_slice %get3A_19 {offsets = [13], sizes = [1], strides = [1]} : vector<16xi32> to vector<1xi32>
      %squeeze3A_357 = vector.extract %slice3A_356[0] : i32 from vector<1xi32>
      %eq3A_358 = vector.broadcast %squeeze3A_357 : i32 to vector<16xi32>
      %eq3A_359 = arith.cmpi eq, %iota3A, %eq3A_358 : vector<16xi32>
      %slice3A_360 = vector.extract_strided_slice %mul3A_27 {offsets = [13], sizes = [1], strides = [1]} : vector<16xf32> to vector<1xf32>
      %squeeze3A_361 = vector.extract %slice3A_360[0] : f32 from vector<1xf32>
      %jit3A_362 = arith.constant 0.000000e+00 : f32
      %broadcast_in_dim3A_363 = vector.broadcast %squeeze3A_361 : f32 to vector<16xf32>
      %broadcast_in_dim3A_364 = vector.broadcast %jit3A_362 : f32 to vector<16xf32>
      %select_n3A_365 = arith.select %eq3A_359, %broadcast_in_dim3A_363, %broadcast_in_dim3A_364 : vector<16xi1>, vector<16xf32>
      %add3A_366 = arith.addf %select_n3A_355, %select_n3A_365 : vector<16xf32>
      %swap3A_367 = arith.constant 208 : index
      %swap3A_368 = tpu.vector_load %arg7[%swap3A_367] {strides = array<i32>} : memref<256xf32, #tpu.memory_space<vmem>>, vector<16xf32>,
      %swap3A_369 = vector.shape_cast %swap3A_368 : vector<16xf32> to vector<16xf32>
      %swap3A_370 = vector.shape_cast %add3A_366 : vector<16xf32> to vector<16xf32>
      tpu.vector_store %arg7[%swap3A_367], %swap3A_370 {strides = array<i32>} : memref<256xf32, #tpu.memory_space<vmem>>, vector<16xf32>,
      %slice3A_371 = vector.extract_strided_slice %get3A_16 {offsets = [14], sizes = [1], strides = [1]} : vector<16xi32> to vector<1xi32>
      %squeeze3A_372 = vector.extract %slice3A_371[0] : i32 from vector<1xi32>
      %eq3A_373 = vector.broadcast %squeeze3A_372 : i32 to vector<16xi32>
      %eq3A_374 = arith.cmpi eq, %iota3A, %eq3A_373 : vector<16xi32>
      %slice3A_375 = vector.extract_strided_slice %mul3A_26 {offsets = [14], sizes = [1], strides = [1]} : vector<16xf32> to vector<1xf32>
      %squeeze3A_376 = vector.extract %slice3A_375[0] : f32 from vector<1xf32>
      %jit3A_377 = arith.constant 0.000000e+00 : f32
      %broadcast_in_dim3A_378 = vector.broadcast %squeeze3A_376 : f32 to vector<16xf32>
      %broadcast_in_dim3A_379 = vector.broadcast %jit3A_377 : f32 to vector<16xf32>
      %select_n3A_380 = arith.select %eq3A_374, %broadcast_in_dim3A_378, %broadcast_in_dim3A_379 : vector<16xi1>, vector<16xf32>
      %slice3A_381 = vector.extract_strided_slice %get3A_19 {offsets = [14], sizes = [1], strides = [1]} : vector<16xi32> to vector<1xi32>
      %squeeze3A_382 = vector.extract %slice3A_381[0] : i32 from vector<1xi32>
      %eq3A_383 = vector.broadcast %squeeze3A_382 : i32 to vector<16xi32>
      %eq3A_384 = arith.cmpi eq, %iota3A, %eq3A_383 : vector<16xi32>
      %slice3A_385 = vector.extract_strided_slice %mul3A_27 {offsets = [14], sizes = [1], strides = [1]} : vector<16xf32> to vector<1xf32>
      %squeeze3A_386 = vector.extract %slice3A_385[0] : f32 from vector<1xf32>
      %jit3A_387 = arith.constant 0.000000e+00 : f32
      %broadcast_in_dim3A_388 = vector.broadcast %squeeze3A_386 : f32 to vector<16xf32>
      %broadcast_in_dim3A_389 = vector.broadcast %jit3A_387 : f32 to vector<16xf32>
      %select_n3A_390 = arith.select %eq3A_384, %broadcast_in_dim3A_388, %broadcast_in_dim3A_389 : vector<16xi1>, vector<16xf32>
      %add3A_391 = arith.addf %select_n3A_380, %select_n3A_390 : vector<16xf32>
      %swap3A_392 = arith.constant 224 : index
      %swap3A_393 = tpu.vector_load %arg7[%swap3A_392] {strides = array<i32>} : memref<256xf32, #tpu.memory_space<vmem>>, vector<16xf32>,
      %swap3A_394 = vector.shape_cast %swap3A_393 : vector<16xf32> to vector<16xf32>
      %swap3A_395 = vector.shape_cast %add3A_391 : vector<16xf32> to vector<16xf32>
      tpu.vector_store %arg7[%swap3A_392], %swap3A_395 {strides = array<i32>} : memref<256xf32, #tpu.memory_space<vmem>>, vector<16xf32>,
      %slice3A_396 = vector.extract_strided_slice %get3A_16 {offsets = [15], sizes = [1], strides = [1]} : vector<16xi32> to vector<1xi32>
      %squeeze3A_397 = vector.extract %slice3A_396[0] : i32 from vector<1xi32>
      %eq3A_398 = vector.broadcast %squeeze3A_397 : i32 to vector<16xi32>
      %eq3A_399 = arith.cmpi eq, %iota3A, %eq3A_398 : vector<16xi32>
      %slice3A_400 = vector.extract_strided_slice %mul3A_26 {offsets = [15], sizes = [1], strides = [1]} : vector<16xf32> to vector<1xf32>
      %squeeze3A_401 = vector.extract %slice3A_400[0] : f32 from vector<1xf32>
      %jit3A_402 = arith.constant 0.000000e+00 : f32
      %broadcast_in_dim3A_403 = vector.broadcast %squeeze3A_401 : f32 to vector<16xf32>
      %broadcast_in_dim3A_404 = vector.broadcast %jit3A_402 : f32 to vector<16xf32>
      %select_n3A_405 = arith.select %eq3A_399, %broadcast_in_dim3A_403, %broadcast_in_dim3A_404 : vector<16xi1>, vector<16xf32>
      %slice3A_406 = vector.extract_strided_slice %get3A_19 {offsets = [15], sizes = [1], strides = [1]} : vector<16xi32> to vector<1xi32>
      %squeeze3A_407 = vector.extract %slice3A_406[0] : i32 from vector<1xi32>
      %eq3A_408 = vector.broadcast %squeeze3A_407 : i32 to vector<16xi32>
      %eq3A_409 = arith.cmpi eq, %iota3A, %eq3A_408 : vector<16xi32>
      %slice3A_410 = vector.extract_strided_slice %mul3A_27 {offsets = [15], sizes = [1], strides = [1]} : vector<16xf32> to vector<1xf32>
      %squeeze3A_411 = vector.extract %slice3A_410[0] : f32 from vector<1xf32>
      %jit3A_412 = arith.constant 0.000000e+00 : f32
      %broadcast_in_dim3A_413 = vector.broadcast %squeeze3A_411 : f32 to vector<16xf32>
      %broadcast_in_dim3A_414 = vector.broadcast %jit3A_412 : f32 to vector<16xf32>
      %select_n3A_415 = arith.select %eq3A_409, %broadcast_in_dim3A_413, %broadcast_in_dim3A_414 : vector<16xi1>, vector<16xf32>
      %add3A_416 = arith.addf %select_n3A_405, %select_n3A_415 : vector<16xf32>
      %swap3A_417 = arith.constant 240 : index
      %swap3A_418 = tpu.vector_load %arg7[%swap3A_417] {strides = array<i32>} : memref<256xf32, #tpu.memory_space<vmem>>, vector<16xf32>,
      %swap3A_419 = vector.shape_cast %swap3A_418 : vector<16xf32> to vector<16xf32>
      %swap3A_420 = vector.shape_cast %add3A_416 : vector<16xf32> to vector<16xf32>
      tpu.vector_store %arg7[%swap3A_417], %swap3A_420 {strides = array<i32>} : memref<256xf32, #tpu.memory_space<vmem>>, vector<16xf32>,
      %mul3A_421 = arith.constant 16 : i32
      %mul3A_422 = arith.muli %mul3A_4, %mul3A_421 : i32
      "tpu.region"() ({
        %run_scoped3A = tpu.sem_alloc : memref<!tpu.dma_semaphore, #tpu.memory_space<semaphore_mem>>
        %dma_start3A = tpu.memref_slice %arg4[%mul3A_422] : memref<4096xf32, #tpu.memory_space<hbm>> -> memref<256xf32, #tpu.memory_space<hbm>>
        %dma_start3A_423 = tpu.memref_slice %arg4[%mul3A_422] : memref<4096xf32, #tpu.memory_space<hbm>> -> memref<256xf32, #tpu.memory_space<hbm>>
        tpu.enqueue_dma source(%arg7 : memref<256xf32, #tpu.memory_space<vmem>>) target(%dma_start3A_423 : memref<256xf32, #tpu.memory_space<hbm>>) target_semaphore(%run_scoped3A : memref<!tpu.dma_semaphore, #tpu.memory_space<semaphore_mem>>)
        %dma_wait3A = tpu.memref_slice %arg4[%mul3A_422] : memref<4096xf32, #tpu.memory_space<hbm>> -> memref<256xf32, #tpu.memory_space<hbm>>
        %dma_wait3A_424 = tpu.memref_slice %arg4[%mul3A_422] : memref<4096xf32, #tpu.memory_space<hbm>> -> memref<256xf32, #tpu.memory_space<hbm>>
        tpu.wait_dma2 semaphore(%run_scoped3A : memref<!tpu.dma_semaphore, #tpu.memory_space<semaphore_mem>>) src(%arg7 : memref<256xf32, #tpu.memory_space<vmem>>) dst(%dma_wait3A_424 : memref<256xf32, #tpu.memory_space<hbm>>)
        tpu.yield
      }) : () -> ()
    } else {
    }
    return
  }
}

module attributes {stable_mosaic.version = 14 : i64} {
  func.func @_moe_body(%arg0: i32, %arg1: memref<256x16xf32, #tpu.memory_space<vmem>>, %arg2: memref<256x1xi32, #tpu.memory_space<vmem>>, %arg3: memref<1x4xf32, #tpu.memory_space<vmem>>, %arg4: memref<256x1024xf32, #tpu.memory_space<vmem>>, %arg5: memref<2x1024x1024xf32, #tpu.memory_space<vmem>>, %arg6: memref<2x1024x1024xf32, #tpu.memory_space<vmem>>, %arg7: memref<2x1024x1024xf32, #tpu.memory_space<vmem>>, %arg8: memref<4x2x16x1024xf32, #tpu.memory_space<vmem>>, %arg9: memref<4x2x1024x16xf32, #tpu.memory_space<vmem>>, %arg10: memref<256x1024xf32, #tpu.memory_space<vmem>>, %arg11: memref<256x1024xbf16, #tpu.memory_space<vmem>>) attributes {dimension_semantics = [#tpu.dimension_semantics<arbitrary>], iteration_bounds = array<i64: 8>, scalar_prefetch = 0 : i64, scratch_operands = 1 : i64, tpu.core_type = #tpu.core_type<tc>, window_params = [{pipeline_mode = #tpu.pipeline_mode<synchronous>, transform_indices = @transform_0, window_bounds = array<i64: 256, 16>}, {pipeline_mode = #tpu.pipeline_mode<synchronous>, transform_indices = @transform_1, window_bounds = array<i64: 256, 1>}, {pipeline_mode = #tpu.pipeline_mode<synchronous>, transform_indices = @transform_2, window_bounds = array<i64: 1, 4>}, {pipeline_mode = #tpu.pipeline_mode<synchronous>, transform_indices = @transform_3, window_bounds = array<i64: 256, 1024>}, {transform_indices = @transform_4, window_bounds = array<i64: 2, 1024, 1024>}, {transform_indices = @transform_5, window_bounds = array<i64: 2, 1024, 1024>}, {transform_indices = @transform_6, window_bounds = array<i64: 2, 1024, 1024>}, {transform_indices = @transform_7, window_bounds = array<i64: 4, 2, 16, 1024>}, {transform_indices = @transform_8, window_bounds = array<i64: 4, 2, 1024, 16>}, {pipeline_mode = #tpu.pipeline_mode<synchronous>, transform_indices = @transform_9, window_bounds = array<i64: 256, 1024>}]} {
    %eq3A = arith.constant 0 : i32
    %eq3A_0 = arith.cmpi eq, %arg0, %eq3A : i32
    %convert_element_type3A = arith.extui %eq3A_0 : i1 to i32
    %cond3A = arith.constant 0 : i32
    %cond3A_1 = arith.cmpi ne, %convert_element_type3A, %cond3A : i32
    scf.if %cond3A_1 {
      %broadcast_in_dim3A_257 = arith.constant 0.000000e+00 : f32
      %broadcast_in_dim3A_258 = vector.broadcast %broadcast_in_dim3A_257 : f32 to vector<256x1024xf32>
      %swap3A_259 = arith.constant 0 : index
      %swap3A_260 = arith.constant 0 : index
      %swap3A_261 = vector.load %arg10[%swap3A_259, %swap3A_260] : memref<256x1024xf32, #tpu.memory_space<vmem>>, vector<256x1024xf32>
      tpu.vector_store %arg10[%swap3A_259, %swap3A_260], %broadcast_in_dim3A_258 {strides = array<i32>} : memref<256x1024xf32, #tpu.memory_space<vmem>>, vector<256x1024xf32>,
      %get3A_262 = arith.constant 0 : index
      %get3A_263 = arith.constant 0 : index
      %get3A_264 = vector.load %arg4[%get3A_262, %get3A_263] : memref<256x1024xf32, #tpu.memory_space<vmem>>, vector<256x1024xf32>
      %convert_element_type3A_265 = arith.truncf %get3A_264 : vector<256x1024xf32> to vector<256x1024xbf16>
      %swap3A_266 = arith.constant 0 : index
      %swap3A_267 = arith.constant 0 : index
      %swap3A_268 = vector.load %arg11[%swap3A_266, %swap3A_267] : memref<256x1024xbf16, #tpu.memory_space<vmem>>, vector<256x1024xbf16>
      tpu.vector_store %arg11[%swap3A_266, %swap3A_267], %convert_element_type3A_265 {strides = array<i32>} : memref<256x1024xbf16, #tpu.memory_space<vmem>>, vector<256x1024xbf16>,
    } else {
    }
    %get3A = arith.constant 0 : index
    %get3A_2 = arith.constant 0 : index
    %get3A_3 = vector.load %arg11[%get3A, %get3A_2] : memref<256x1024xbf16, #tpu.memory_space<vmem>>, vector<256x1024xbf16>
    %get3A_4 = arith.constant 0 : index
    %get3A_5 = arith.constant 0 : index
    %get3A_6 = vector.load %arg1[%get3A_4, %get3A_5] : memref<256x16xf32, #tpu.memory_space<vmem>>, vector<256x16xf32>
    %iota3A = tpu.iota {dimensions = array<i32: 1>} : vector<256x16xi32>
    %iota3A_7 = tpu.iota {dimensions = array<i32: 1>} : vector<256x4xi32>
    %get3A_8 = arith.constant 0 : index
    %get3A_9 = arith.constant 0 : index
    %get3A_10 = vector.load %arg2[%get3A_8, %get3A_9] : memref<256x1xi32, #tpu.memory_space<vmem>>, vector<256x1xi32>
    %eq3A_11 = vector.broadcast %get3A_10 : vector<256x1xi32> to vector<256x4xi32>
    %eq3A_12 = arith.cmpi eq, %iota3A_7, %eq3A_11 : vector<256x4xi32>
    %jit3A = arith.constant 1.000000e+00 : f32
    %jit3A_13 = arith.constant 0.000000e+00 : f32
    %broadcast_in_dim3A = vector.broadcast %jit3A : f32 to vector<256x4xf32>
    %broadcast_in_dim3A_14 = vector.broadcast %jit3A_13 : f32 to vector<256x4xf32>
    %select_n3A = arith.select %eq3A_12, %broadcast_in_dim3A, %broadcast_in_dim3A_14 : vector<256x4xi1>, vector<256x4xf32>
    %get3A_15 = arith.constant 0 : index
    %get3A_16 = arith.constant 0 : index
    %get3A_17 = vector.load %arg3[%get3A_15, %get3A_16] : memref<1x4xf32, #tpu.memory_space<vmem>>, vector<1x4xf32>
    %mul3A = vector.broadcast %get3A_17 : vector<1x4xf32> to vector<256x4xf32>
    %mul3A_18 = arith.mulf %select_n3A, %mul3A : vector<256x4xf32>
    %broadcast_in_dim3A_19 = arith.constant 0.000000e+00 : f32
    %broadcast_in_dim3A_20 = vector.broadcast %broadcast_in_dim3A_19 : f32 to vector<256x1024xf32>
    %mul3A_21 = arith.constant 2 : i32
    %mul3A_22 = arith.muli %arg0, %mul3A_21 : i32
    %add3A = arith.constant 0 : i32
    %add3A_23 = arith.addi %mul3A_22, %add3A : i32
    %eq3A_24 = vector.broadcast %add3A_23 : i32 to vector<256x16xi32>
    %eq3A_25 = arith.cmpi eq, %iota3A, %eq3A_24 : vector<256x16xi32>
    %jit3A_26 = arith.constant 0.000000e+00 : f32
    %broadcast_in_dim3A_27 = vector.broadcast %jit3A_26 : f32 to vector<256x16xf32>
    %select_n3A_28 = arith.select %eq3A_25, %get3A_6, %broadcast_in_dim3A_27 : vector<256x16xi1>, vector<256x16xf32>
    %reduce_sum3A = arith.constant dense<0.000000e+00> : vector<256xf32>
    %reduce_sum3A_29 = vector.multi_reduction <add>, %select_n3A_28, %reduce_sum3A [1] : vector<256x16xf32> to vector<256xf32>
    %broadcast_in_dim3A_30 = vector.shape_cast %reduce_sum3A_29 : vector<256xf32> to vector<256x1xf32>
    %get3A_31 = arith.constant 0 : index
    %get3A_32 = arith.constant 0 : index
    %get3A_33 = arith.constant 0 : index
    %get3A_34 = vector.load %arg5[%get3A_31, %get3A_32, %get3A_33] : memref<2x1024x1024xf32, #tpu.memory_space<vmem>>, vector<1x1024x1024xf32>
    %get3A_35 = vector.shape_cast %get3A_34 : vector<1x1024x1024xf32> to vector<1024x1024xf32>
    %convert_element_type3A_36 = arith.truncf %get3A_35 : vector<1024x1024xf32> to vector<1024x1024xbf16>
    %get3A_37 = arith.constant 0 : index
    %get3A_38 = arith.constant 0 : index
    %get3A_39 = arith.constant 0 : index
    %get3A_40 = vector.load %arg6[%get3A_37, %get3A_38, %get3A_39] : memref<2x1024x1024xf32, #tpu.memory_space<vmem>>, vector<1x1024x1024xf32>
    %get3A_41 = vector.shape_cast %get3A_40 : vector<1x1024x1024xf32> to vector<1024x1024xf32>
    %convert_element_type3A_42 = arith.truncf %get3A_41 : vector<1024x1024xf32> to vector<1024x1024xbf16>
    %dot_general3A = arith.constant dense<0.000000e+00> : vector<256x1024xf32>
    %dot_general3A_43 = tpu.matmul %get3A_3, %convert_element_type3A_36, %dot_general3A {dimension_numbers = #tpu.dot_dimension_numbers<[1], [0], [0], [1], [0, 0, 1, 1], [], []>, transpose_lhs_hint = false} : vector<256x1024xbf16>, vector<1024x1024xbf16>, vector<256x1024xf32> -> vector<256x1024xf32>
    %dot_general3A_44 = arith.constant dense<0.000000e+00> : vector<256x1024xf32>
    %dot_general3A_45 = tpu.matmul %get3A_3, %convert_element_type3A_42, %dot_general3A_44 {dimension_numbers = #tpu.dot_dimension_numbers<[1], [0], [0], [1], [0, 0, 1, 1], [], []>, transpose_lhs_hint = false} : vector<256x1024xbf16>, vector<1024x1024xbf16>, vector<256x1024xf32> -> vector<256x1024xf32>
    %neg3A = arith.constant 0.000000e+00 : f32
    %neg3A_46 = vector.broadcast %neg3A : f32 to vector<256x1024xf32>
    %neg3A_47 = arith.subf %neg3A_46, %dot_general3A_43 : vector<256x1024xf32>
    %exp3A = math.exp %neg3A_47 : vector<256x1024xf32>
    %add3A_48 = arith.constant 1.000000e+00 : f32
    %add3A_49 = vector.broadcast %add3A_48 : f32 to vector<256x1024xf32>
    %add3A_50 = arith.addf %add3A_49, %exp3A : vector<256x1024xf32>
    %div3A = arith.divf %dot_general3A_43, %add3A_50 : vector<256x1024xf32>
    %mul3A_51 = arith.mulf %div3A, %dot_general3A_45 : vector<256x1024xf32>
    %get3A_52 = arith.constant 0 : index
    %get3A_53 = arith.constant 0 : index
    %get3A_54 = arith.constant 0 : index
    %get3A_55 = vector.load %arg7[%get3A_52, %get3A_53, %get3A_54] : memref<2x1024x1024xf32, #tpu.memory_space<vmem>>, vector<1x1024x1024xf32>
    %get3A_56 = vector.shape_cast %get3A_55 : vector<1x1024x1024xf32> to vector<1024x1024xf32>
    %convert_element_type3A_57 = arith.truncf %get3A_56 : vector<1024x1024xf32> to vector<1024x1024xbf16>
    %convert_element_type3A_58 = arith.truncf %mul3A_51 : vector<256x1024xf32> to vector<256x1024xbf16>
    %dot_general3A_59 = arith.constant dense<0.000000e+00> : vector<256x1024xf32>
    %dot_general3A_60 = tpu.matmul %convert_element_type3A_58, %convert_element_type3A_57, %dot_general3A_59 {dimension_numbers = #tpu.dot_dimension_numbers<[1], [0], [0], [1], [0, 0, 1, 1], [], []>, transpose_lhs_hint = false} : vector<256x1024xbf16>, vector<1024x1024xbf16>, vector<256x1024xf32> -> vector<256x1024xf32>
    %get3A_61 = arith.constant 0 : index
    %get3A_62 = arith.constant 0 : index
    %get3A_63 = arith.constant 0 : index
    %get3A_64 = arith.constant 0 : index
    %get3A_65 = vector.load %arg8[%get3A_61, %get3A_62, %get3A_63, %get3A_64] : memref<4x2x16x1024xf32, #tpu.memory_space<vmem>>, vector<4x1x16x1024xf32>
    %get3A_66 = vector.shape_cast %get3A_65 : vector<4x1x16x1024xf32> to vector<4x16x1024xf32>
    %reshape3A = vector.shape_cast %get3A_66 : vector<4x16x1024xf32> to vector<64x1024xf32>
    %convert_element_type3A_67 = arith.truncf %reshape3A : vector<64x1024xf32> to vector<64x1024xbf16>
    %dot_general3A_68 = arith.constant dense<0.000000e+00> : vector<256x64xf32>
    %dot_general3A_69 = tpu.matmul %get3A_3, %convert_element_type3A_67, %dot_general3A_68 {dimension_numbers = #tpu.dot_dimension_numbers<[1], [1], [0], [0], [0, 0, 1, 0], [], []>, transpose_lhs_hint = false} : vector<256x1024xbf16>, vector<64x1024xbf16>, vector<256x64xf32> -> vector<256x64xf32>
    %slice3A = vector.extract_strided_slice %dot_general3A_69 {offsets = [0, 0], sizes = [256, 16], strides = [1, 1]} : vector<256x64xf32> to vector<256x16xf32>
    %slice3A_70 = vector.extract_strided_slice %mul3A_18 {offsets = [0, 0], sizes = [256, 1], strides = [1, 1]} : vector<256x4xf32> to vector<256x1xf32>
    %mul3A_71 = vector.broadcast %slice3A_70 : vector<256x1xf32> to vector<256x16xf32>
    %mul3A_72 = arith.mulf %slice3A, %mul3A_71 : vector<256x16xf32>
    %get3A_73 = arith.constant 0 : index
    %get3A_74 = arith.constant 0 : index
    %get3A_75 = arith.constant 0 : index
    %get3A_76 = arith.constant 0 : index
    %get3A_77 = vector.load %arg9[%get3A_73, %get3A_74, %get3A_75, %get3A_76] : memref<4x2x1024x16xf32, #tpu.memory_space<vmem>>, vector<1x1x1024x16xf32>
    %get3A_78 = vector.shape_cast %get3A_77 : vector<1x1x1024x16xf32> to vector<1024x16xf32>
    %convert_element_type3A_79 = arith.truncf %get3A_78 : vector<1024x16xf32> to vector<1024x16xbf16>
    %convert_element_type3A_80 = arith.truncf %mul3A_72 : vector<256x16xf32> to vector<256x16xbf16>
    %dot_general3A_81 = arith.constant dense<0.000000e+00> : vector<256x1024xf32>
    %dot_general3A_82 = tpu.matmul %convert_element_type3A_80, %convert_element_type3A_79, %dot_general3A_81 {dimension_numbers = #tpu.dot_dimension_numbers<[1], [1], [0], [0], [0, 0, 1, 0], [], []>, transpose_lhs_hint = false} : vector<256x16xbf16>, vector<1024x16xbf16>, vector<256x1024xf32> -> vector<256x1024xf32>
    %add3A_83 = arith.addf %dot_general3A_60, %dot_general3A_82 : vector<256x1024xf32>
    %slice3A_84 = vector.extract_strided_slice %dot_general3A_69 {offsets = [0, 16], sizes = [256, 16], strides = [1, 1]} : vector<256x64xf32> to vector<256x16xf32>
    %slice3A_85 = vector.extract_strided_slice %mul3A_18 {offsets = [0, 1], sizes = [256, 1], strides = [1, 1]} : vector<256x4xf32> to vector<256x1xf32>
    %mul3A_86 = vector.broadcast %slice3A_85 : vector<256x1xf32> to vector<256x16xf32>
    %mul3A_87 = arith.mulf %slice3A_84, %mul3A_86 : vector<256x16xf32>
    %get3A_88 = arith.constant 1 : index
    %get3A_89 = arith.constant 0 : index
    %get3A_90 = arith.constant 0 : index
    %get3A_91 = arith.constant 0 : index
    %get3A_92 = vector.load %arg9[%get3A_88, %get3A_89, %get3A_90, %get3A_91] : memref<4x2x1024x16xf32, #tpu.memory_space<vmem>>, vector<1x1x1024x16xf32>
    %get3A_93 = vector.shape_cast %get3A_92 : vector<1x1x1024x16xf32> to vector<1024x16xf32>
    %convert_element_type3A_94 = arith.truncf %get3A_93 : vector<1024x16xf32> to vector<1024x16xbf16>
    %convert_element_type3A_95 = arith.truncf %mul3A_87 : vector<256x16xf32> to vector<256x16xbf16>
    %dot_general3A_96 = arith.constant dense<0.000000e+00> : vector<256x1024xf32>
    %dot_general3A_97 = tpu.matmul %convert_element_type3A_95, %convert_element_type3A_94, %dot_general3A_96 {dimension_numbers = #tpu.dot_dimension_numbers<[1], [1], [0], [0], [0, 0, 1, 0], [], []>, transpose_lhs_hint = false} : vector<256x16xbf16>, vector<1024x16xbf16>, vector<256x1024xf32> -> vector<256x1024xf32>
    %add3A_98 = arith.addf %add3A_83, %dot_general3A_97 : vector<256x1024xf32>
    %slice3A_99 = vector.extract_strided_slice %dot_general3A_69 {offsets = [0, 32], sizes = [256, 16], strides = [1, 1]} : vector<256x64xf32> to vector<256x16xf32>
    %slice3A_100 = vector.extract_strided_slice %mul3A_18 {offsets = [0, 2], sizes = [256, 1], strides = [1, 1]} : vector<256x4xf32> to vector<256x1xf32>
    %mul3A_101 = vector.broadcast %slice3A_100 : vector<256x1xf32> to vector<256x16xf32>
    %mul3A_102 = arith.mulf %slice3A_99, %mul3A_101 : vector<256x16xf32>
    %get3A_103 = arith.constant 2 : index
    %get3A_104 = arith.constant 0 : index
    %get3A_105 = arith.constant 0 : index
    %get3A_106 = arith.constant 0 : index
    %get3A_107 = vector.load %arg9[%get3A_103, %get3A_104, %get3A_105, %get3A_106] : memref<4x2x1024x16xf32, #tpu.memory_space<vmem>>, vector<1x1x1024x16xf32>
    %get3A_108 = vector.shape_cast %get3A_107 : vector<1x1x1024x16xf32> to vector<1024x16xf32>
    %convert_element_type3A_109 = arith.truncf %get3A_108 : vector<1024x16xf32> to vector<1024x16xbf16>
    %convert_element_type3A_110 = arith.truncf %mul3A_102 : vector<256x16xf32> to vector<256x16xbf16>
    %dot_general3A_111 = arith.constant dense<0.000000e+00> : vector<256x1024xf32>
    %dot_general3A_112 = tpu.matmul %convert_element_type3A_110, %convert_element_type3A_109, %dot_general3A_111 {dimension_numbers = #tpu.dot_dimension_numbers<[1], [1], [0], [0], [0, 0, 1, 0], [], []>, transpose_lhs_hint = false} : vector<256x16xbf16>, vector<1024x16xbf16>, vector<256x1024xf32> -> vector<256x1024xf32>
    %add3A_113 = arith.addf %add3A_98, %dot_general3A_112 : vector<256x1024xf32>
    %slice3A_114 = vector.extract_strided_slice %dot_general3A_69 {offsets = [0, 48], sizes = [256, 16], strides = [1, 1]} : vector<256x64xf32> to vector<256x16xf32>
    %slice3A_115 = vector.extract_strided_slice %mul3A_18 {offsets = [0, 3], sizes = [256, 1], strides = [1, 1]} : vector<256x4xf32> to vector<256x1xf32>
    %mul3A_116 = vector.broadcast %slice3A_115 : vector<256x1xf32> to vector<256x16xf32>
    %mul3A_117 = arith.mulf %slice3A_114, %mul3A_116 : vector<256x16xf32>
    %get3A_118 = arith.constant 3 : index
    %get3A_119 = arith.constant 0 : index
    %get3A_120 = arith.constant 0 : index
    %get3A_121 = arith.constant 0 : index
    %get3A_122 = vector.load %arg9[%get3A_118, %get3A_119, %get3A_120, %get3A_121] : memref<4x2x1024x16xf32, #tpu.memory_space<vmem>>, vector<1x1x1024x16xf32>
    %get3A_123 = vector.shape_cast %get3A_122 : vector<1x1x1024x16xf32> to vector<1024x16xf32>
    %convert_element_type3A_124 = arith.truncf %get3A_123 : vector<1024x16xf32> to vector<1024x16xbf16>
    %convert_element_type3A_125 = arith.truncf %mul3A_117 : vector<256x16xf32> to vector<256x16xbf16>
    %dot_general3A_126 = arith.constant dense<0.000000e+00> : vector<256x1024xf32>
    %dot_general3A_127 = tpu.matmul %convert_element_type3A_125, %convert_element_type3A_124, %dot_general3A_126 {dimension_numbers = #tpu.dot_dimension_numbers<[1], [1], [0], [0], [0, 0, 1, 0], [], []>, transpose_lhs_hint = false} : vector<256x16xbf16>, vector<1024x16xbf16>, vector<256x1024xf32> -> vector<256x1024xf32>
    %add3A_128 = arith.addf %add3A_113, %dot_general3A_127 : vector<256x1024xf32>
    %mul3A_129 = vector.broadcast %broadcast_in_dim3A_30 : vector<256x1xf32> to vector<256x1024xf32>
    %mul3A_130 = arith.mulf %mul3A_129, %add3A_128 : vector<256x1024xf32>
    %add3A_131 = arith.addf %broadcast_in_dim3A_20, %mul3A_130 : vector<256x1024xf32>
    %mul3A_132 = arith.constant 2 : i32
    %mul3A_133 = arith.muli %arg0, %mul3A_132 : i32
    %add3A_134 = arith.constant 1 : i32
    %add3A_135 = arith.addi %mul3A_133, %add3A_134 : i32
    %eq3A_136 = vector.broadcast %add3A_135 : i32 to vector<256x16xi32>
    %eq3A_137 = arith.cmpi eq, %iota3A, %eq3A_136 : vector<256x16xi32>
    %jit3A_138 = arith.constant 0.000000e+00 : f32
    %broadcast_in_dim3A_139 = vector.broadcast %jit3A_138 : f32 to vector<256x16xf32>
    %select_n3A_140 = arith.select %eq3A_137, %get3A_6, %broadcast_in_dim3A_139 : vector<256x16xi1>, vector<256x16xf32>
    %reduce_sum3A_141 = arith.constant dense<0.000000e+00> : vector<256xf32>
    %reduce_sum3A_142 = vector.multi_reduction <add>, %select_n3A_140, %reduce_sum3A_141 [1] : vector<256x16xf32> to vector<256xf32>
    %broadcast_in_dim3A_143 = vector.shape_cast %reduce_sum3A_142 : vector<256xf32> to vector<256x1xf32>
    %get3A_144 = arith.constant 1 : index
    %get3A_145 = arith.constant 0 : index
    %get3A_146 = arith.constant 0 : index
    %get3A_147 = vector.load %arg5[%get3A_144, %get3A_145, %get3A_146] : memref<2x1024x1024xf32, #tpu.memory_space<vmem>>, vector<1x1024x1024xf32>
    %get3A_148 = vector.shape_cast %get3A_147 : vector<1x1024x1024xf32> to vector<1024x1024xf32>
    %convert_element_type3A_149 = arith.truncf %get3A_148 : vector<1024x1024xf32> to vector<1024x1024xbf16>
    %get3A_150 = arith.constant 1 : index
    %get3A_151 = arith.constant 0 : index
    %get3A_152 = arith.constant 0 : index
    %get3A_153 = vector.load %arg6[%get3A_150, %get3A_151, %get3A_152] : memref<2x1024x1024xf32, #tpu.memory_space<vmem>>, vector<1x1024x1024xf32>
    %get3A_154 = vector.shape_cast %get3A_153 : vector<1x1024x1024xf32> to vector<1024x1024xf32>
    %convert_element_type3A_155 = arith.truncf %get3A_154 : vector<1024x1024xf32> to vector<1024x1024xbf16>
    %dot_general3A_156 = arith.constant dense<0.000000e+00> : vector<256x1024xf32>
    %dot_general3A_157 = tpu.matmul %get3A_3, %convert_element_type3A_149, %dot_general3A_156 {dimension_numbers = #tpu.dot_dimension_numbers<[1], [0], [0], [1], [0, 0, 1, 1], [], []>, transpose_lhs_hint = false} : vector<256x1024xbf16>, vector<1024x1024xbf16>, vector<256x1024xf32> -> vector<256x1024xf32>
    %dot_general3A_158 = arith.constant dense<0.000000e+00> : vector<256x1024xf32>
    %dot_general3A_159 = tpu.matmul %get3A_3, %convert_element_type3A_155, %dot_general3A_158 {dimension_numbers = #tpu.dot_dimension_numbers<[1], [0], [0], [1], [0, 0, 1, 1], [], []>, transpose_lhs_hint = false} : vector<256x1024xbf16>, vector<1024x1024xbf16>, vector<256x1024xf32> -> vector<256x1024xf32>
    %neg3A_160 = arith.constant 0.000000e+00 : f32
    %neg3A_161 = vector.broadcast %neg3A_160 : f32 to vector<256x1024xf32>
    %neg3A_162 = arith.subf %neg3A_161, %dot_general3A_157 : vector<256x1024xf32>
    %exp3A_163 = math.exp %neg3A_162 : vector<256x1024xf32>
    %add3A_164 = arith.constant 1.000000e+00 : f32
    %add3A_165 = vector.broadcast %add3A_164 : f32 to vector<256x1024xf32>
    %add3A_166 = arith.addf %add3A_165, %exp3A_163 : vector<256x1024xf32>
    %div3A_167 = arith.divf %dot_general3A_157, %add3A_166 : vector<256x1024xf32>
    %mul3A_168 = arith.mulf %div3A_167, %dot_general3A_159 : vector<256x1024xf32>
    %get3A_169 = arith.constant 1 : index
    %get3A_170 = arith.constant 0 : index
    %get3A_171 = arith.constant 0 : index
    %get3A_172 = vector.load %arg7[%get3A_169, %get3A_170, %get3A_171] : memref<2x1024x1024xf32, #tpu.memory_space<vmem>>, vector<1x1024x1024xf32>
    %get3A_173 = vector.shape_cast %get3A_172 : vector<1x1024x1024xf32> to vector<1024x1024xf32>
    %convert_element_type3A_174 = arith.truncf %get3A_173 : vector<1024x1024xf32> to vector<1024x1024xbf16>
    %convert_element_type3A_175 = arith.truncf %mul3A_168 : vector<256x1024xf32> to vector<256x1024xbf16>
    %dot_general3A_176 = arith.constant dense<0.000000e+00> : vector<256x1024xf32>
    %dot_general3A_177 = tpu.matmul %convert_element_type3A_175, %convert_element_type3A_174, %dot_general3A_176 {dimension_numbers = #tpu.dot_dimension_numbers<[1], [0], [0], [1], [0, 0, 1, 1], [], []>, transpose_lhs_hint = false} : vector<256x1024xbf16>, vector<1024x1024xbf16>, vector<256x1024xf32> -> vector<256x1024xf32>
    %get3A_178 = arith.constant 0 : index
    %get3A_179 = arith.constant 1 : index
    %get3A_180 = arith.constant 0 : index
    %get3A_181 = arith.constant 0 : index
    %get3A_182 = vector.load %arg8[%get3A_178, %get3A_179, %get3A_180, %get3A_181] : memref<4x2x16x1024xf32, #tpu.memory_space<vmem>>, vector<4x1x16x1024xf32>
    %get3A_183 = vector.shape_cast %get3A_182 : vector<4x1x16x1024xf32> to vector<4x16x1024xf32>
    %reshape3A_184 = vector.shape_cast %get3A_183 : vector<4x16x1024xf32> to vector<64x1024xf32>
    %convert_element_type3A_185 = arith.truncf %reshape3A_184 : vector<64x1024xf32> to vector<64x1024xbf16>
    %dot_general3A_186 = arith.constant dense<0.000000e+00> : vector<256x64xf32>
    %dot_general3A_187 = tpu.matmul %get3A_3, %convert_element_type3A_185, %dot_general3A_186 {dimension_numbers = #tpu.dot_dimension_numbers<[1], [1], [0], [0], [0, 0, 1, 0], [], []>, transpose_lhs_hint = false} : vector<256x1024xbf16>, vector<64x1024xbf16>, vector<256x64xf32> -> vector<256x64xf32>
    %slice3A_188 = vector.extract_strided_slice %dot_general3A_187 {offsets = [0, 0], sizes = [256, 16], strides = [1, 1]} : vector<256x64xf32> to vector<256x16xf32>
    %slice3A_189 = vector.extract_strided_slice %mul3A_18 {offsets = [0, 0], sizes = [256, 1], strides = [1, 1]} : vector<256x4xf32> to vector<256x1xf32>
    %mul3A_190 = vector.broadcast %slice3A_189 : vector<256x1xf32> to vector<256x16xf32>
    %mul3A_191 = arith.mulf %slice3A_188, %mul3A_190 : vector<256x16xf32>
    %get3A_192 = arith.constant 0 : index
    %get3A_193 = arith.constant 1 : index
    %get3A_194 = arith.constant 0 : index
    %get3A_195 = arith.constant 0 : index
    %get3A_196 = vector.load %arg9[%get3A_192, %get3A_193, %get3A_194, %get3A_195] : memref<4x2x1024x16xf32, #tpu.memory_space<vmem>>, vector<1x1x1024x16xf32>
    %get3A_197 = vector.shape_cast %get3A_196 : vector<1x1x1024x16xf32> to vector<1024x16xf32>
    %convert_element_type3A_198 = arith.truncf %get3A_197 : vector<1024x16xf32> to vector<1024x16xbf16>
    %convert_element_type3A_199 = arith.truncf %mul3A_191 : vector<256x16xf32> to vector<256x16xbf16>
    %dot_general3A_200 = arith.constant dense<0.000000e+00> : vector<256x1024xf32>
    %dot_general3A_201 = tpu.matmul %convert_element_type3A_199, %convert_element_type3A_198, %dot_general3A_200 {dimension_numbers = #tpu.dot_dimension_numbers<[1], [1], [0], [0], [0, 0, 1, 0], [], []>, transpose_lhs_hint = false} : vector<256x16xbf16>, vector<1024x16xbf16>, vector<256x1024xf32> -> vector<256x1024xf32>
    %add3A_202 = arith.addf %dot_general3A_177, %dot_general3A_201 : vector<256x1024xf32>
    %slice3A_203 = vector.extract_strided_slice %dot_general3A_187 {offsets = [0, 16], sizes = [256, 16], strides = [1, 1]} : vector<256x64xf32> to vector<256x16xf32>
    %slice3A_204 = vector.extract_strided_slice %mul3A_18 {offsets = [0, 1], sizes = [256, 1], strides = [1, 1]} : vector<256x4xf32> to vector<256x1xf32>
    %mul3A_205 = vector.broadcast %slice3A_204 : vector<256x1xf32> to vector<256x16xf32>
    %mul3A_206 = arith.mulf %slice3A_203, %mul3A_205 : vector<256x16xf32>
    %get3A_207 = arith.constant 1 : index
    %get3A_208 = arith.constant 1 : index
    %get3A_209 = arith.constant 0 : index
    %get3A_210 = arith.constant 0 : index
    %get3A_211 = vector.load %arg9[%get3A_207, %get3A_208, %get3A_209, %get3A_210] : memref<4x2x1024x16xf32, #tpu.memory_space<vmem>>, vector<1x1x1024x16xf32>
    %get3A_212 = vector.shape_cast %get3A_211 : vector<1x1x1024x16xf32> to vector<1024x16xf32>
    %convert_element_type3A_213 = arith.truncf %get3A_212 : vector<1024x16xf32> to vector<1024x16xbf16>
    %convert_element_type3A_214 = arith.truncf %mul3A_206 : vector<256x16xf32> to vector<256x16xbf16>
    %dot_general3A_215 = arith.constant dense<0.000000e+00> : vector<256x1024xf32>
    %dot_general3A_216 = tpu.matmul %convert_element_type3A_214, %convert_element_type3A_213, %dot_general3A_215 {dimension_numbers = #tpu.dot_dimension_numbers<[1], [1], [0], [0], [0, 0, 1, 0], [], []>, transpose_lhs_hint = false} : vector<256x16xbf16>, vector<1024x16xbf16>, vector<256x1024xf32> -> vector<256x1024xf32>
    %add3A_217 = arith.addf %add3A_202, %dot_general3A_216 : vector<256x1024xf32>
    %slice3A_218 = vector.extract_strided_slice %dot_general3A_187 {offsets = [0, 32], sizes = [256, 16], strides = [1, 1]} : vector<256x64xf32> to vector<256x16xf32>
    %slice3A_219 = vector.extract_strided_slice %mul3A_18 {offsets = [0, 2], sizes = [256, 1], strides = [1, 1]} : vector<256x4xf32> to vector<256x1xf32>
    %mul3A_220 = vector.broadcast %slice3A_219 : vector<256x1xf32> to vector<256x16xf32>
    %mul3A_221 = arith.mulf %slice3A_218, %mul3A_220 : vector<256x16xf32>
    %get3A_222 = arith.constant 2 : index
    %get3A_223 = arith.constant 1 : index
    %get3A_224 = arith.constant 0 : index
    %get3A_225 = arith.constant 0 : index
    %get3A_226 = vector.load %arg9[%get3A_222, %get3A_223, %get3A_224, %get3A_225] : memref<4x2x1024x16xf32, #tpu.memory_space<vmem>>, vector<1x1x1024x16xf32>
    %get3A_227 = vector.shape_cast %get3A_226 : vector<1x1x1024x16xf32> to vector<1024x16xf32>
    %convert_element_type3A_228 = arith.truncf %get3A_227 : vector<1024x16xf32> to vector<1024x16xbf16>
    %convert_element_type3A_229 = arith.truncf %mul3A_221 : vector<256x16xf32> to vector<256x16xbf16>
    %dot_general3A_230 = arith.constant dense<0.000000e+00> : vector<256x1024xf32>
    %dot_general3A_231 = tpu.matmul %convert_element_type3A_229, %convert_element_type3A_228, %dot_general3A_230 {dimension_numbers = #tpu.dot_dimension_numbers<[1], [1], [0], [0], [0, 0, 1, 0], [], []>, transpose_lhs_hint = false} : vector<256x16xbf16>, vector<1024x16xbf16>, vector<256x1024xf32> -> vector<256x1024xf32>
    %add3A_232 = arith.addf %add3A_217, %dot_general3A_231 : vector<256x1024xf32>
    %slice3A_233 = vector.extract_strided_slice %dot_general3A_187 {offsets = [0, 48], sizes = [256, 16], strides = [1, 1]} : vector<256x64xf32> to vector<256x16xf32>
    %slice3A_234 = vector.extract_strided_slice %mul3A_18 {offsets = [0, 3], sizes = [256, 1], strides = [1, 1]} : vector<256x4xf32> to vector<256x1xf32>
    %mul3A_235 = vector.broadcast %slice3A_234 : vector<256x1xf32> to vector<256x16xf32>
    %mul3A_236 = arith.mulf %slice3A_233, %mul3A_235 : vector<256x16xf32>
    %get3A_237 = arith.constant 3 : index
    %get3A_238 = arith.constant 1 : index
    %get3A_239 = arith.constant 0 : index
    %get3A_240 = arith.constant 0 : index
    %get3A_241 = vector.load %arg9[%get3A_237, %get3A_238, %get3A_239, %get3A_240] : memref<4x2x1024x16xf32, #tpu.memory_space<vmem>>, vector<1x1x1024x16xf32>
    %get3A_242 = vector.shape_cast %get3A_241 : vector<1x1x1024x16xf32> to vector<1024x16xf32>
    %convert_element_type3A_243 = arith.truncf %get3A_242 : vector<1024x16xf32> to vector<1024x16xbf16>
    %convert_element_type3A_244 = arith.truncf %mul3A_236 : vector<256x16xf32> to vector<256x16xbf16>
    %dot_general3A_245 = arith.constant dense<0.000000e+00> : vector<256x1024xf32>
    %dot_general3A_246 = tpu.matmul %convert_element_type3A_244, %convert_element_type3A_243, %dot_general3A_245 {dimension_numbers = #tpu.dot_dimension_numbers<[1], [1], [0], [0], [0, 0, 1, 0], [], []>, transpose_lhs_hint = false} : vector<256x16xbf16>, vector<1024x16xbf16>, vector<256x1024xf32> -> vector<256x1024xf32>
    %add3A_247 = arith.addf %add3A_232, %dot_general3A_246 : vector<256x1024xf32>
    %mul3A_248 = vector.broadcast %broadcast_in_dim3A_143 : vector<256x1xf32> to vector<256x1024xf32>
    %mul3A_249 = arith.mulf %mul3A_248, %add3A_247 : vector<256x1024xf32>
    %add3A_250 = arith.addf %add3A_131, %mul3A_249 : vector<256x1024xf32>
    %get3A_251 = arith.constant 0 : index
    %get3A_252 = arith.constant 0 : index
    %get3A_253 = vector.load %arg10[%get3A_251, %get3A_252] : memref<256x1024xf32, #tpu.memory_space<vmem>>, vector<256x1024xf32>
    %add3A_254 = arith.addf %get3A_253, %add3A_250 : vector<256x1024xf32>
    %swap3A = arith.constant 0 : index
    %swap3A_255 = arith.constant 0 : index
    %swap3A_256 = vector.load %arg10[%swap3A, %swap3A_255] : memref<256x1024xf32, #tpu.memory_space<vmem>>, vector<256x1024xf32>
    tpu.vector_store %arg10[%swap3A, %swap3A_255], %add3A_254 {strides = array<i32>} : memref<256x1024xf32, #tpu.memory_space<vmem>>, vector<256x1024xf32>,
    return
  }
  func.func @transform_0(%arg0: i32) -> (i32, i32) {
    %c0_i32 = arith.constant 0 : i32
    %c0_i32_0 = arith.constant 0 : i32
    %c0_i32_1 = arith.constant 0 : i32
    return %c0_i32, %c0_i32_0 : i32, i32
  }
  func.func @transform_1(%arg0: i32) -> (i32, i32) {
    %c0_i32 = arith.constant 0 : i32
    %c0_i32_0 = arith.constant 0 : i32
    %c0_i32_1 = arith.constant 0 : i32
    return %c0_i32, %c0_i32_0 : i32, i32
  }
  func.func @transform_2(%arg0: i32) -> (i32, i32) {
    %c0_i32 = arith.constant 0 : i32
    %c0_i32_0 = arith.constant 0 : i32
    %c0_i32_1 = arith.constant 0 : i32
    return %c0_i32, %c0_i32_0 : i32, i32
  }
  func.func @transform_3(%arg0: i32) -> (i32, i32) {
    %c0_i32 = arith.constant 0 : i32
    %c0_i32_0 = arith.constant 0 : i32
    %c0_i32_1 = arith.constant 0 : i32
    return %c0_i32, %c0_i32_0 : i32, i32
  }
  func.func @transform_4(%arg0: i32) -> (i32, i32, i32) {
    %c0_i32 = arith.constant 0 : i32
    %c0_i32_0 = arith.constant 0 : i32
    %c0_i32_1 = arith.constant 0 : i32
    return %arg0, %c0_i32, %c0_i32_0 : i32, i32, i32
  }
  func.func @transform_5(%arg0: i32) -> (i32, i32, i32) {
    %c0_i32 = arith.constant 0 : i32
    %c0_i32_0 = arith.constant 0 : i32
    %c0_i32_1 = arith.constant 0 : i32
    return %arg0, %c0_i32, %c0_i32_0 : i32, i32, i32
  }
  func.func @transform_6(%arg0: i32) -> (i32, i32, i32) {
    %c0_i32 = arith.constant 0 : i32
    %c0_i32_0 = arith.constant 0 : i32
    %c0_i32_1 = arith.constant 0 : i32
    return %arg0, %c0_i32, %c0_i32_0 : i32, i32, i32
  }
  func.func @transform_7(%arg0: i32) -> (i32, i32, i32, i32) {
    %c0_i32 = arith.constant 0 : i32
    %c0_i32_0 = arith.constant 0 : i32
    %c0_i32_1 = arith.constant 0 : i32
    %c0_i32_2 = arith.constant 0 : i32
    return %c0_i32, %arg0, %c0_i32_0, %c0_i32_1 : i32, i32, i32, i32
  }
  func.func @transform_8(%arg0: i32) -> (i32, i32, i32, i32) {
    %c0_i32 = arith.constant 0 : i32
    %c0_i32_0 = arith.constant 0 : i32
    %c0_i32_1 = arith.constant 0 : i32
    %c0_i32_2 = arith.constant 0 : i32
    return %c0_i32, %arg0, %c0_i32_0, %c0_i32_1 : i32, i32, i32, i32
  }
  func.func @transform_9(%arg0: i32) -> (i32, i32) {
    %c0_i32 = arith.constant 0 : i32
    %c0_i32_0 = arith.constant 0 : i32
    %c0_i32_1 = arith.constant 0 : i32
    return %c0_i32, %c0_i32_0 : i32, i32
  }
}

</mosaic_0001>

<sc_bundles>
// kernel: kernel.4.cloned.1.call-start
scs
__scs_entry_jumppad:
0x0: {  	(pc) =	sbr.rel $0x88, $3  }
0x1: {  	(tag) =	ssettag $0x0;
	lr =	simm.s32 $0x1  }
0x2: {  	[smem:$0x3F97] =	sst lr;
	_ =	strace $0xD0000000  }
0x3: {  	_ = 	snop  }
0x4: {  	_ = 	snop  }
0x5: {  	_ = 	snop  }
0x6: {  	_ = 	snop  }
0x7: {  	_ = 	snop  }
__scs_overlays_trampoline_lowered:
0x8: {  	[smem:$0x3FA6] =	sst s0  }
0x9: {  	[smem:$0x3FA7] =	sst s1  }
0xa: {  	[smem:$0x3FA8] =	sst s2  }
0xb: {  	[smem:$0x3FA9] =	sst s3  }
0xc: {  	[smem:$0x3FAA] =	sst s4  }
0xd: {  	[smem:$0x3FAB] =	sst s5  }
0xe: {  	[smem:$0x3FAC] =	sst s6  }
0xf: {  	[smem:$0x3FAD] =	sst s7  }
0x10: {  	[smem:$0x3FAE] =	sst s8  }
0x11: {  	[smem:$0x3FAF] =	sst s9;
	s0 =	simm.s32 @!p0 $0x0  }
0x12: {  	s1 =	sld [smem:$0x3F95];
	s0 =	simm.s32 @p0 $0x1  }
0x13: {  	[smem:$0x3FB0] =	sst s0;
	s0 =	simm.s32 @!p1 $0x0  }
0x14: {  	s2 =	sld [smem:$0x3F94];
	s0 =	simm.s32 @p1 $0x1  }
0x15: {  	[smem:$0x3FB1] =	sst s0;
	s0 =	simm.s32 @!p2 $0x0  }
0x16: {  	s3 =	sld [smem:$0x3FDB];
	s0 =	simm.s32 @p2 $0x1  }
0x17: {  	s4 =	simm.s32 $0x1BF5;
	[smem:$0x3FB3] =	sst s0  }
0x18: {  	s0 =	sld [smem:$0x3F96];
	_ =	swait.ge [sflag:s4], $0x0  }
0x19: {  	s7 =	sld [smem:$0x3F97]  }
0x1a: {  	s8 =	sadd.s32 $0xFFFFE003, lr  }
0x1b: {  	s9 =	sadd.s32 $0xFFFFFEF7, lr;
	s5 =	simm.s32 $0xFFFFFFFF;
	p2 =	slt.u32 s8, $0xFFFFF086  }
0x1c: {  	p1 =	slt.u32 s9, $0xF7A;
	s5 =	simm.s32 @!p2 $0x0  }
0x1d: {  	s5 =	simm.s32 @p1 $0x1;
	p0 =	seq.s32 s7, s2  }
0x1e: {  	s7 =	smul.u32 @!p0 $0xF7A, s2;
	p2 =	seq.s32 @!p0 s5, $0x0  }
0x1f: {  	s9 =	smul.u32 $0xF7A, s1;
	s8 =	simm.s32 @!p0 $0x1BF5;
	p2 =	por !p2, p0  }
0x20: {  	[sflag:s8] =	ssyncset.s32 @!p0 $0xFFFFF086;
	s6 =	sadd.s32 @!p0 s3, s7;
	s7 =	simm.s32 @!p0 $0x108  }
0x21: {  	s3 =	sadd.s32 s3, s9;
	s6 =	sadd.s32 @!p0 $0x88, s6;
	s7 =	simm.s32 @p2 $0x1082  }
0x22: {  	[simem:s7], [sflag:s8] =	dma.local @!p0 [hbm:s6], $0xF7A  }
0x23: {  	s9 =	sor.u32 $0xD0000000, s2;
	s6 =	simm.s32 $0x108;
	_ =	swait.ge @!p0 [sflag:s8], $0x0  }
0x24: {  	s3 =	sadd.s32 $0x88, s3;
	s6 =	simm.s32 @!p1 $0x1082;
	[sflag:s4] =	ssyncset.s32 $0xFFFFF086  }
0x25: {  	[simem:s6], [sflag:s4] =	dma.local [hbm:s3], $0xF7A  }
0x26: {  	[smem:$0x3F97] =	sst s1;
	(tag) =	ssettag s2;
	_ =	strace s9  }
0x27: {  	s1 =	sld [smem:$0x3FA7]  }
0x28: {  	s2 =	sld [smem:$0x3FA8]  }
0x29: {  	s4 =	sld [smem:$0x3FAA]  }
0x2a: {  	p0 =	seq.s32 s5, $0x0;
	s5 =	sld [smem:$0x3FAB]  }
0x2b: {  	s6 =	sld [smem:$0x3FAC]  }
0x2c: {  	s7 =	sld [smem:$0x3FAD]  }
0x2d: {  	s3 =	simm.s32 $0x108;
	s8 =	sld [smem:$0x3FAE]  }
0x2e: {  	s3 =	simm.s32 @!p0 $0x1082;
	s9 =	sld [smem:$0x3FAF]  }
0x2f: {  	lr =	sadd.s32 s0, s3;
	s0 =	sld [smem:$0x3FA6]  }
0x30: {  	s3 =	sld [smem:$0x3FA9]  }
0x31: {  	[smem:$0x3FB2] =	sst s10  }
0x32: {  	s10 =	sld [smem:$0x3FB0];
	_ =	sdelay $0x3  }
0x33: {  	p0 =	seq.s32 s10, $0x1;
	s10 =	sld [smem:$0x3FB2];
	_ =	sdelay $0x3  }
0x34: {  	[smem:$0x3FB2] =	sst s10  }
0x35: {  	s10 =	sld [smem:$0x3FB1];
	_ =	sdelay $0x3  }
0x36: {  	p1 =	seq.s32 s10, $0x1;
	s10 =	sld [smem:$0x3FB2];
	_ =	sdelay $0x3  }
0x37: {  	[smem:$0x3FB2] =	sst s10  }
0x38: {  	s10 =	sld [smem:$0x3FB3]  }
0x39: {  	_ = 	snop;
	(pc) =	sbr.ind lr, $3  }
0x3a: {  	_ = 	snop  }
0x3b: {  	_ = 	snop  }
0x3c: {  	p2 =	seq.s32 s10, $0x1;
	s10 =	sld [smem:$0x3FB2]  }
0x3d: {  	_ =	shalt  }
0x3e: {  	_ =	shalt  }
0x3f: {  	_ =	shalt  }
0x40: {  	_ =	shalt  }
0x41: {  	_ =	shalt  }
0x42: {  	_ =	shalt  }
0x43: {  	_ =	shalt  }
0x44: {  	_ =	shalt  }
0x45: {  	_ =	shalt  }
0x46: {  	_ =	shalt  }
0x47: {  	_ =	shalt  }
0x48: {  	_ =	shalt  }
0x49: {  	_ =	shalt  }
0x4a: {  	_ =	shalt  }
0x4b: {  	_ =	shalt  }
0x4c: {  	_ =	shalt  }
0x4d: {  	_ =	shalt  }
0x4e: {  	_ =	shalt  }
0x4f: {  	_ =	shalt  }
0x50: {  	_ =	shalt  }
0x51: {  	_ =	shalt  }
0x52: {  	_ =	shalt  }
0x53: {  	_ =	shalt  }
0x54: {  	_ =	shalt  }
0x55: {  	_ =	shalt  }
0x56: {  	_ =	shalt  }
0x57: {  	_ =	shalt  }
0x58: {  	_ =	shalt  }
0x59: {  	_ =	shalt  }
0x5a: {  	_ =	shalt  }
0x5b: {  	_ =	shalt  }
0x5c: {  	_ =	shalt  }
0x5d: {  	_ =	shalt  }
0x5e: {  	_ =	shalt  }
0x5f: {  	_ =	shalt  }
0x60: {  	_ =	shalt  }
0x61: {  	_ =	shalt  }
0x62: {  	_ =	shalt  }
0x63: {  	_ =	shalt  }
0x64: {  	_ =	shalt  }
0x65: {  	_ =	shalt  }
0x66: {  	_ =	shalt  }
0x67: {  	_ =	shalt  }
0x68: {  	_ =	shalt  }
0x69: {  	_ =	shalt  }
0x6a: {  	_ =	shalt  }
0x6b: {  	_ =	shalt  }
0x6c: {  	_ =	shalt  }
0x6d: {  	_ =	shalt  }
0x6e: {  	_ =	shalt  }
0x6f: {  	_ =	shalt  }
0x70: {  	_ =	shalt  }
0x71: {  	_ =	shalt  }
0x72: {  	_ =	shalt  }
0x73: {  	_ =	shalt  }
0x74: {  	_ =	shalt  }
0x75: {  	_ =	shalt  }
0x76: {  	_ =	shalt  }
0x77: {  	_ =	shalt  }
0x78: {  	_ =	shalt  }
0x79: {  	_ =	shalt  }
0x7a: {  	_ =	shalt  }
0x7b: {  	_ =	shalt  }
0x7c: {  	_ =	shalt  }
0x7d: {  	_ =	shalt  }
0x7e: {  	_ =	shalt  }
0x7f: {  	_ =	shalt  }
0x80: {  	_ =	shalt  }
0x81: {  	_ =	shalt  }
0x82: {  	_ =	shalt  }
0x83: {  	_ =	shalt  }
0x84: {  	_ =	shalt  }
0x85: {  	_ =	shalt  }
0x86: {  	_ =	shalt  }
0x87: {  	_ =	shalt  }
.Lfunc_end0:
.L_simem_size_0:
called_computation_lowered:
.L_overlay_start_0:
0x88: {  	s2 =	sld [smem:$0x3FD9]  }
0x89: {  	s3 =	sld [smem:$0x3FFE];
	_ =	sdelay $0x1  }
0x8a: {  	s1 =	srdreg.scid  }
0x8b: {  	s0 =	sand.u32 $0x1, s1  }
0x8c: {  	s17 =	sshll.u32 s0, $0xA;
	s2 =	sadd.s32 s3, s2  }
0x8d: {  	s2 =	sadd.s32 s2, s17  }
0x8e: {  	[smem:$0x3FBE] =	sst s2  }
0x8f: {  	_ = 	snop  }
0x90: {  	s2 =	sld [smem:$0x3FD0];
	(tm) =	ssettm $0x1  }
0x91: {  	s18 =	sld [smem:$0x3FFB];
	_ =	sdelay $0x3  }
0x92: {  	_ =	strace s18  }
0x93: {  	s3 =	sld [smem:$0x3FFC];
	_ =	sdelay $0x3  }
0x94: {  	_ =	strace s3  }
0x95: {  	s3 =	sld [smem:$0x3FFD];
	_ =	sdelay $0x3  }
0x96: {  	_ =	strace s3  }
0x97: {  	_ =	strace $0x8FFFFFFF  }
0x98: {  	s19 =	sld [smem:$0x3FDB];
	_ =	sdelay $0x1  }
0x99: {  	s4 =	simm.s32 $_scs_section_size  }
0x9a: {  	s5 =	simm.s32 $_size__tile_overlayer_lowered;
	s6 =	simm.s32 $_tile_overlayer_lowered  }
0x9b: {  	s22 =	simm.s32 $0x1BFF;
	s21 =	sshll.u32 s6, $0x1;
	s3 =	sadd.s32 s4, s19  }
0x9c: {  	s7 =	simm.s32 $0x0;
	s20 =	sshll.u32 s5, $0x1;
	s5 =	sadd.s32 s21, s3  }
0x9d: {  	[timem:s7], [sflag:s22] =	dma.local [hbm:s5], s20  }
0x9e: {  	_ =	swait.ge [sflag:s22], s20  }
0x9f: {  	s4 =	ssub.s32 $0x0, s20;
	[sflag:s22] =	ssyncset.done $0x0  }
0xa0: {  	[sflag:s22] =	ssyncadd.s32 s4;
	_ =	sdelay $0x1  }
0xa1: {  	s23 =	simm.s32 $0x1B8B  }
0xa2: {  	_ =	swait.ge [sflag:s23], $0x1  }
0xa3: {  	[sflag:s23] =	ssyncset.done $0x0  }
0xa4: {  	s25 =	simm.s32 $0x1B8E;
	s24 =	sld [smem:$0x3FFE];
	[sflag:s23] =	ssyncadd.s32 $0xFFFFFFFF  }
0xa5: {  	s26 =	simm.s32 $execute0_lowered;
	[smem:$0x3FD2] =	sst s25  }
0xa6: {  	s5 =	sshll.u32 s26, $0x1;
	_ =	strace $0x80000046;
	[dreg:$0x1] =	wrdreg $0xFFFFFFFF  }
0xa7: {  	s28 =	simm.s32 $_size_execute0_lowered;
	s3 =	sadd.s32 s3, s5;
	[dreg:$0x0] =	wrdreg $0x0  }
0xa8: {  	s5 =	sshll.u32 s28, $0x1;
	[dreg:$0x2] =	wrdreg s3  }
0xa9: {  	[dreg:$0x3] =	wrdreg s5  }
0xaa: {  	[dreg:$0x4] =	wrdreg $0xC0  }
0xab: {  	_ =	task [dreg:s7], $0x5FFFF  }
0xac: {  	[dreg:$0x1] =	wrdreg $0xFFFFFFFF  }
0xad: {  	[dreg:$0x0] =	wrdreg $0x60  }
0xae: {  	[dreg:$0x2] =	wrdreg s24  }
0xaf: {  	[dreg:$0x3] =	wrdreg s2  }
0xb0: {  	[dreg:$0x4] =	wrdreg $0x9  }
0xb1: {  	_ =	task.clear_ibuf [dreg:s7], $0x5FFFF;
	_ =	strace $0x90000046  }
0xb2: {  	s29 =	simm.s32 $0x9;
	_ =	strace $0x80000048  }
0xb3: {  	_ =	swait.ge [sflag:s29], $0x1  }
0xb4: {  	[sflag:s29] =	ssyncadd.s32 $0xFFFFFFFF  }
0xb5: {  	_ =	strace $0x90000048  }
0xb6: {  	_ =	sfence  }
0xb7: {  	s30 =	sld [smem:$0x0];
	_ =	sdelay $0x2  }
0xb8: {  	s31 =	sshll.u32 s1, $0xD;
	s1 =	sshrl.u32 s1, $0x2  }
0xb9: {  	s3 =	sand.u32 $0x4000, s31;
	s1 =	sadd.s32 s1, s30  }
0xba: {  	s0 =	sor.u32 s3, s0;
	s1 =	sshll.u32 s1, $0x11  }
0xbb: {  	s0 =	sor.u32 s1, s0  }
0xbc: {  	s0 =	sadd.s32 $0x8F2B, s0  }
0xbd: {  	[sflag:s0] =	ssyncadd.remote.s32 $0x1  }
0xbe: {  	_ =	sfence.sel $0xFFFF  }
0xbf: {  	[dreg:$0x0] =	wrdreg $0xFFFFFFFF;
	(pc) =	sbr.abs _section_cstart, $3  }
0xc0: {  	[dreg:$0x1] =	wrdreg $0xFFFFFFFF  }
0xc1: {  	_ =	task.clear_ibuf [dreg:s7], $0x2FFFF;
	_ =	strace $0x9FFFFFFF  }
0xc2: {  	(tm) =	ssettm $0x7FFFFFFF  }
0xc3: {  	_ =	shalt  }
tec
execute0_lowered:
.L_overlay_start_1:
0x0: {  	(tag) =	ssettag $0x1  }
0x1: {  	s1 =	stileid.u32  }
0x2: {  	p0 =	sgt.u32 s1, $0x7  }
.Ltmp0:
0x3: {  	_ = 	snop;
	(pc) =	sbr.rel @p0 .LBB2_4-.Ltmp0, $4  }
0x4: {  	s7 =	rddreg [dreg:$0x0]  }
0x5: {  	s4 =	rddreg [dreg:$0x1];
	s2 =	simm.s32 $0x0  }
0x6: {  	[smem:$0x7FF] =	sst s2  }
0x7: {  	s0 =	rddreg [dreg:$0x2];
	_ =	strace $0x80000047  }
0x8: {  	s3 =	srdreg.scid  }
0x9: {  	s29 =	sshll.u32 s1, $0x1;
	s9 =	sand.u32 $0x1, s3  }
0xa: {  	s5 =	sor.u32 s9, s29  }
0xb: {  	s30 =	sadd.s32 $0x400, s7;
	s8 =	sshll.u32 s5, $0x2  }
0xc: {  	s3 =	simm.s32 $0x1;
	s6 =	sadd.s32 s30, s8  }
0xd: {  	[tilespmem:s2], [sflag:$0x1] =	stream.linear.gather [hbm4b:s6+s2], $0x20, $0x38;
	[tilespmem:$0x200] =	vst v63  }
0xe: {  	_ =	swait.ge [sflag:s3], $0x20  }
0xf: {  	s31 =	sadd.s32 s8, s7;
	[sflag:s3] =	ssyncset.done $0x0  }
0x10: {  	s8 =	simm.s32 $0x80;
	s7 =	sadd.s32 $0x600, s31;
	[sflag:s3] =	ssyncadd.s32 $0xFFFFFFE0  }
0x11: {  	[tilespmem:s8], [sflag:$0x1] =	stream.linear.gather [hbm4b:s7+s2], $0x20, $0x38;
	[tilespmem:$0x200] =	vst v63  }
0x12: {  	_ =	swait.ge [sflag:s3], $0x20  }
0x13: {  	[sflag:s3] =	ssyncset.done $0x0  }
0x14: {  	[sflag:s3] =	ssyncadd.s32 $0xFFFFFFE0  }
0x15: {  	v3 =	vld [tilespmem:$0x90];
	_ =	sdelay $0x1  }
0x16: {  	v5 =	vld [tilespmem:$0x80];
	_ =	sdelay $0x2  }
0x17: {  	v1 =	vbroadcast v3, $0xE  }
0x18: {  	v9 =	vbroadcast v3, $0xF;
	v10 =	vbroadcast v3, $0x1  }
0x19: {  	v11 =	vbroadcast v3, $0x9;
	v12 =	vbroadcast v5, $0x6  }
0x1a: {  	v2 =	vbroadcast v3, $0xD;
	v13 =	vbroadcast v5, $0x3  }
0x1b: {  	v14 =	vbroadcast v5, $0xE;
	v6 =	vbroadcast v3, $0x8  }
0x1c: {  	v4 =	vld [tilespmem:$0x0];
	v15 =	vbroadcast v3, $0xC;
	v16 =	vbroadcast v3, $0x6  }
0x1d: {  	v8 =	vld [tilespmem:$0x10];
	v17 =	vbroadcast v5, $0xD;
	v18 =	vbroadcast v3, $0x7  }
0x1e: {  	v19 =	vbroadcast v3, $0xA;
	v51 =	vbroadcast v5, $0x4  }
0x1f: {  	v20 =	vbroadcast v3, $0x5;
	v52 =	vbroadcast v3, $0x4  }
0x20: {  	v54 =	vimm.s32 $0x0;
	v53 =	vbroadcast v5, $0xA;
	v56 =	vbroadcast v3, $0xB  }
0x21: {  	v55 =	vimm.s32 $0x0;
	v57 =	vbroadcast v5, $0xC;
	v59 =	vbroadcast v5, $0x9  }
0x22: {  	v0 =	vadd.f32 v8, v4;
	v60 =	vbroadcast v5, $0x8;
	v61 =	vbroadcast v5, $0x7  }
0x23: {  	v58 =	vimm.s32 $0x0;
	v21 =	vbroadcast v5, $0x2;
	v22 =	vbroadcast v5, $0x5  }
0x24: {  	v23 =	vbroadcast v3, $0x0;
	v7 =	vadd.f32 $9.999999710e-10, v0;
	v0 =	vlaneseq.u32  }
0x25: {  	v63 =	vbroadcast v3, $0x2;
	vm0 =	veq.s32 v1, v0;
	v1 =	vimm.s32 $0x0  }
0x26: {  	vm15 =	veq.s32 v53, v0;
	vm2 =	veq.s32 v18, v0;
	v1 =	vsel vm0, $0xFFFFFFFF, v1  }
0x27: {  	vm3 =	veq.s32 v59, v0;
	vm0 =	veq.s32 v2, v0;
	[tilespmem:$0x1FF20] =	vst v1;
	v1 =	vimm.s32 $0x0  }
0x28: {  	vm9 =	veq.s32 v13, v0;
	vm11 =	veq.s32 v61, v0;
	v1 =	vsel vm0, $0xFFFFFFFF, v1  }
0x29: {  	vm5 =	veq.s32 v12, v0;
	vm0 =	veq.s32 v15, v0;
	[tilespmem:$0x1FF30] =	vst v1;
	v1 =	vimm.s32 $0x0  }
0x2a: {  	vm12 =	veq.s32 v56, v0;
	vm1 =	veq.s32 v23, v0;
	v1 =	vsel vm0, $0xFFFFFFFF, v1  }
0x2b: {  	(erf) = vrcp.f32 v7;
	vm0 =	veq.s32 v17, v0;
	[tilespmem:$0x1FF40] =	vst v1;
	v1 =	vimm.s32 $0x0  }
0x2c: {  	vm10 =	veq.s32 v11, v0;
	vm7 =	veq.s32 v21, v0;
	v1 =	vsel vm0, $0xFFFFFFFF, v1  }
0x2d: {  	v7 =	vbroadcast v5, $0x1;
	vm0 =	veq.s32 v16, v0;
	[tilespmem:$0x1FF50] =	vst v1;
	v1 =	vimm.s32 $0x0  }
0x2e: {  	vm8 =	veq.s32 v63, v0;
	v1 =	vsel vm0, $0xFFFFFFFF, v1;
	vm0 =	veq.s32 v19, v0  }
0x2f: {  	vm4 =	veq.s32 v7, v0;
	v19 =	vsel vm0, $0xFFFFFFFF, v54;
	vm0 =	veq.s32 v51, v0  }
0x30: {  	v7 =	vimm.s32 $0x0;
	v15 =	vsel vm0, $0xFFFFFFFF, v55;
	vm0 =	veq.s32 v52, v0  }
0x31: {  	s9 =	ssub.s32 $0x2, s9;
	[tilespmem:$0x1FF60] =	vst v1;
	v1 =	vbroadcast v3, $0x3;
	v7 =	vsel vm0, $0xFFFFFFFF, v7;
	vm0 =	veq.s32 v20, v0  }
0x32: {  	s10 =	sshrl.u32 s9, $0x1;
	[tilespmem:$0x1FF70] =	vst v19;
	v17 =	vsel vm0, $0xFFFFFFFF, v58;
	vm0 =	veq.s32 v6, v0;
	v6 =	vimm.s32 $0x0  }
0x33: {  	s9 =	ssub.s32 s9, s10;
	v3 =	vimm.s32 $0x0;
	[tilespmem:$0x1FF80] =	vst v15;
	v6 =	vsel vm0, $0xFFFFFFFF, v6;
	vm0 =	veq.s32 v60, v0  }
0x34: {  	s9 =	smax.u32 s9, $0x1;
	v62 =	vpop (erf);
	[tilespmem:$0x1FF90] =	vst v7;
	v3 =	vsel vm0, $0xFFFFFFFF, v3;
	vm0 =	veq.s32 v9, v0;
	v9 =	vimm.s32 $0x0  }
0x35: {  	p0 =	sne.s32 s9, $0x1;
	v4 =	vmul.f32 v62, v4;
	v7 =	vbroadcast v5, $0xB;
	[tilespmem:$0x1FFA0] =	vst v17;
	v9 =	vsel vm0, $0xFFFFFFFF, v9  }
.Ltmp1:
0x36: {  	vm14 =	veq.s32 v14, v0;
	v2 =	vbroadcast v5, $0x0;
	[tilespmem:$0x1FFD0] =	vst v9;
	v9 =	vimm.s32 $0x0;
	(pc) =	sbr.rel @!p0 .LBB2_3-.Ltmp1, $4  }
0x37: {  	vm6 =	veq.s32 v7, v0;
	[tilespmem:$0x1FFB0] =	vst v6;
	v6 =	vbroadcast v4, $0x3;
	v9 =	vsel vm1, $0xFFFFFFFF, v9  }
0x38: {  	v7 =	vbroadcast v4, $0xF;
	vm1 =	veq.s32 v10, v0;
	[tilespmem:$0x1FFE0] =	vst v9;
	v9 =	vimm.s32 $0x0  }
0x39: {  	s5 =	sshll.u32 s5, $0x5;
	[tilespmem:$0x1FFC0] =	vst v3;
	v3 =	vmul.f32 v62, v8;
	v8 =	vbroadcast v5, $0xF;
	v9 =	vsel vm1, $0xFFFFFFFF, v9  }
0x3a: {  	s4 =	sadd.s32 s4, s5;
	s5 =	simm.s32 $0x100;
	s9 =	sadd.s32 $0xFFFFFFFF, s9;
	v5 =	vbroadcast v4, $0x6;
	vm0 =	veq.s32 v22, v0;
	vm1 =	veq.s32 v57, v0;
	[tilespmem:$0x1FFF0] =	vst v9  }
.LBB2_2:
0x3b: {  	v9 =	vbroadcast v4, $0x7  }
0x3c: {  	v11 =	vbroadcast v4, $0x4;
	v12 =	vbroadcast v4, $0x2  }
0x3d: {  	v13 =	vbroadcast v4, $0x5;
	v15 =	vbroadcast v4, $0xB  }
0x3e: {  	v17 =	vbroadcast v4, $0xA;
	v63 =	vbroadcast v4, $0x9  }
0x3f: {  	v10 =	vbroadcast v3, $0xB;
	v19 =	vbroadcast v3, $0x7  }
0x40: {  	v24 =	vld [tilespmem:$0x1FF70];
	v62 =	vbroadcast v3, $0x2;
	v21 =	vbroadcast v3, $0xA  }
0x41: {  	v26 =	vld [tilespmem:$0x1FF60];
	v22 =	vbroadcast v3, $0x9;
	v23 =	vbroadcast v3, $0x6  }
0x42: {  	v9 =	vnsel vm11, $0x0, v9;
	v13 =	vnsel vm0, $0x0, v13;
	v15 =	vnsel vm6, $0x0, v15  }
0x43: {  	v29 =	vld [tilespmem:$0x1FF80];
	vm0 =	veq.s32 v2, v0;
	v2 =	vbroadcast v3, $0x4;
	v17 =	vnsel vm15, $0x0, v17  }
0x44: {  	v30 =	vld [tilespmem:$0x1FF90];
	v10 =	vnsel vm12, $0x0, v10;
	v19 =	vnsel vm2, $0x0, v19;
	v25 =	vnsel vm10, $0x0, v22  }
0x45: {  	v27 =	vnsel vm8, $0x0, v62;
	v10 =	vadd.f32 v10, v15;
	vm2 =	vnez.u8 v24  }
0x46: {  	v9 =	vadd.f32 v19, v9;
	v21 =	vnsel vm2, $0x0, v21;
	vm2 =	vnez.u8 v26  }
0x47: {  	[tilespmem:$0x1B0] =	vst v10;
	v10 =	vnsel vm3, $0x0, v63;
	v17 =	vadd.f32 v21, v17;
	v21 =	vnsel vm2, $0x0, v23  }
0x48: {  	[tilespmem:$0x170] =	vst v9;
	v9 =	vadd.f32 v25, v10;
	v10 =	vnsel vm7, $0x0, v12;
	vm2 =	vnez.u8 v29  }
0x49: {  	v10 =	vadd.f32 v27, v10;
	v11 =	vnsel vm2, $0x0, v11;
	vm2 =	vnez.u8 v30  }
0x4a: {  	v2 =	vnsel vm2, $0x0, v2  }
0x4b: {  	[tilespmem:$0x120] =	vst v10;
	v2 =	vadd.f32 v2, v11;
	v10 =	vbroadcast v4, $0xC;
	_ =	sdelay $0x1  }
0x4c: {  	[tilespmem:$0x140] =	vst v2;
	v2 =	vnsel vm1, $0x0, v10;
	v10 =	vld [tilespmem:$0x1FF40];
	_ =	sdelay $0x3  }
0x4d: {  	v11 =	vbroadcast v3, $0xC  }
0x4e: {  	vm1 =	vnez.u8 v10  }
0x4f: {  	v10 =	vnsel vm1, $0x0, v11  }
0x50: {  	v2 =	vadd.f32 v10, v2;
	v10 =	vld [tilespmem:$0x1FF50];
	_ =	sdelay $0x4  }
0x51: {  	vm1 =	vnez.u8 v10;
	v10 =	vld [tilespmem:$0x1FF30]  }
0x52: {  	v14 =	vbroadcast v4, $0x1  }
0x53: {  	v16 =	vbroadcast v4, $0x0;
	v18 =	vbroadcast v4, $0x8  }
0x54: {  	v20 =	vbroadcast v4, $0xE;
	v4 =	vbroadcast v4, $0xD  }
0x55: {  	v31 =	vbroadcast v3, $0xD  }
0x56: {  	v4 =	vnsel vm1, $0x0, v4;
	vm1 =	vnez.u8 v10  }
0x57: {  	v10 =	vnsel vm1, $0x0, v31  }
0x58: {  	v4 =	vadd.f32 v10, v4;
	v10 =	vld [tilespmem:$0x1FF20]  }
0x59: {  	v5 =	vnsel vm5, $0x0, v5  }
0x5a: {  	v5 =	vadd.f32 v21, v5  }
0x5b: {  	vm13 =	veq.s32 v8, v0;
	v8 =	vbroadcast v3, $0x1;
	v28 =	vbroadcast v3, $0x5;
	[tilespmem:$0x190] =	vst v9  }
0x5c: {  	v32 =	vld [tilespmem:$0x1FFD0];
	v34 =	vbroadcast v3, $0x8;
	[tilespmem:$0x160] =	vst v5;
	v5 =	vbroadcast v3, $0xE  }
0x5d: {  	v33 =	vld [tilespmem:$0x1FFF0];
	v9 =	vbroadcast v3, $0xF;
	v11 =	vbroadcast v3, $0x0;
	[tilespmem:$0x1C0] =	vst v2;
	vm1 =	vnez.u8 v10  }
0x5e: {  	v3 =	vbroadcast v3, $0x3;
	v2 =	vnsel vm14, $0x0, v20;
	[tilespmem:$0x1D0] =	vst v4;
	v4 =	vld [tilespmem:$0x1FFB0];
	v5 =	vnsel vm1, $0x0, v5  }
0x5f: {  	v10 =	vnsel vm0, $0x0, v16;
	vm0 =	veq.s32 v1, v0;
	v1 =	vadd.f32 v5, v2;
	v5 =	vld [tilespmem:$0x1FFC0];
	_ =	sdelay $0x1  }
0x60: {  	v6 =	vnsel vm9, $0x0, v6;
	v3 =	vnsel vm0, $0x0, v3;
	v2 =	vld [tilespmem:$0x1FFE0]  }
0x61: {  	v14 =	vnsel vm4, $0x0, v14;
	vm2 =	vnez.u8 v32;
	v3 =	vadd.f32 v3, v6;
	v6 =	vld [tilespmem:$0x1FFA0]  }
0x62: {  	v9 =	vnsel vm2, $0x0, v9;
	vm2 =	vnez.u8 v33;
	vm0 =	vnez.u8 v4  }
0x63: {  	[tilespmem:$0x1A0] =	vst v17;
	v8 =	vnsel vm2, $0x0, v8;
	v4 =	vnsel vm0, $0x0, v34;
	vm0 =	vnez.u8 v5  }
0x64: {  	[tilespmem:$0x1E0] =	vst v1;
	v1 =	vadd.f32 v8, v14;
	v5 =	vnsel vm0, $0x0, v18  }
0x65: {  	v7 =	vnsel vm13, $0x0, v7;
	[tilespmem:$0x130] =	vst v3;
	vm1 =	vnez.u8 v2;
	v4 =	vadd.f32 v4, v5  }
0x66: {  	[tilespmem:$0x110] =	vst v1;
	v2 =	vnsel vm1, $0x0, v11;
	vm0 =	vnez.u8 v6;
	v5 =	vadd.f32 v9, v7  }
0x67: {  	v2 =	vadd.f32 v2, v10;
	v6 =	vnsel vm0, $0x0, v28;
	[tilespmem:$0x180] =	vst v4  }
0x68: {  	v3 =	vadd.f32 v6, v13;
	[tilespmem:$0x1F0] =	vst v5  }
0x69: {  	[tilespmem:$0x100] =	vst v2  }
0x6a: {  	[tilespmem:$0x150] =	vst v3  }
0x6b: {  	[hbm4b:s4+s2] =	stream.linear.scatter [tilespmem:s5], [sflag:$0x1], $0x100, $0x38;
	[tilespmem:$0x200] =	vst v63  }
0x6c: {  	_ =	swait.ge [sflag:s3], $0x100  }
0x6d: {  	[sflag:s3] =	ssyncset.done $0x0  }
0x6e: {  	[sflag:s3] =	ssyncadd.s32 $0xFFFFFF00  }
0x6f: {  	[tilespmem:s2], [sflag:$0x1] =	stream.linear.gather [hbm4b:s6+s2], $0x20, $0x38;
	[tilespmem:$0x200] =	vst v63  }
0x70: {  	_ =	swait.ge [sflag:s3], $0x20  }
0x71: {  	[sflag:s3] =	ssyncset.done $0x0  }
0x72: {  	[sflag:s3] =	ssyncadd.s32 $0xFFFFFFE0  }
0x73: {  	[tilespmem:s8], [sflag:$0x1] =	stream.linear.gather [hbm4b:s7+s2], $0x20, $0x38;
	[tilespmem:$0x200] =	vst v63  }
0x74: {  	_ =	swait.ge [sflag:s3], $0x20  }
0x75: {  	[sflag:s3] =	ssyncset.done $0x0  }
0x76: {  	[sflag:s3] =	ssyncadd.s32 $0xFFFFFFE0  }
0x77: {  	v3 =	vld [tilespmem:$0x90];
	_ =	sdelay $0x1  }
0x78: {  	v5 =	vld [tilespmem:$0x80];
	_ =	sdelay $0x2  }
0x79: {  	v1 =	vbroadcast v3, $0xE  }
0x7a: {  	v6 =	vbroadcast v3, $0xF;
	v7 =	vbroadcast v3, $0x1  }
0x7b: {  	v9 =	vbroadcast v3, $0x9;
	v10 =	vbroadcast v5, $0x6  }
0x7c: {  	v2 =	vbroadcast v3, $0xD;
	v11 =	vbroadcast v5, $0x3  }
0x7d: {  	v43 =	vimm.s32 $0x0;
	v35 =	vbroadcast v5, $0xE;
	v36 =	vbroadcast v3, $0x8  }
0x7e: {  	v46 =	vimm.s32 $0x0;
	v37 =	vbroadcast v3, $0xC;
	v38 =	vbroadcast v3, $0x6  }
0x7f: {  	v48 =	vimm.s32 $0x0;
	v39 =	vbroadcast v5, $0xD;
	v40 =	vbroadcast v5, $0x1  }
0x80: {  	v50 =	vimm.s32 $0x0;
	v41 =	vbroadcast v3, $0x7;
	v42 =	vbroadcast v3, $0xA  }
0x81: {  	v51 =	vimm.s32 $0x0;
	v44 =	vbroadcast v5, $0x4;
	v45 =	vbroadcast v3, $0x5  }
0x82: {  	v54 =	vimm.s32 $0x0;
	v47 =	vbroadcast v3, $0x4;
	v49 =	vbroadcast v5, $0xA  }
0x83: {  	v56 =	vimm.s32 $0x0;
	v4 =	vld [tilespmem:$0x0];
	v52 =	vbroadcast v3, $0xB;
	v53 =	vbroadcast v5, $0xC  }
0x84: {  	v60 =	vimm.s32 $0x0;
	v8 =	vld [tilespmem:$0x10];
	v55 =	vbroadcast v5, $0xB;
	v57 =	vbroadcast v5, $0x9  }
0x85: {  	v62 =	vimm.s32 $0x0;
	v58 =	vbroadcast v5, $0x8;
	v59 =	vbroadcast v5, $0x7  }
0x86: {  	v61 =	vbroadcast v5, $0x2;
	v63 =	vbroadcast v3, $0x2;
	vm0 =	veq.s32 v1, v0  }
0x87: {  	v1 =	vimm.s32 $0x0;
	vm4 =	veq.s32 v40, v0;
	vm15 =	veq.s32 v49, v0  }
0x88: {  	v1 =	vsel vm0, $0xFFFFFFFF, v1;
	vm0 =	veq.s32 v2, v0;
	v2 =	vimm.s32 $0x0  }
0x89: {  	[tilespmem:$0x1FF20] =	vst v1;
	v1 =	vadd.f32 v8, v4;
	v2 =	vsel vm0, $0xFFFFFFFF, v2;
	vm0 =	veq.s32 v37, v0  }
0x8a: {  	vm2 =	veq.s32 v41, v0;
	v14 =	vsel vm0, $0xFFFFFFFF, v43;
	vm0 =	veq.s32 v39, v0  }
0x8b: {  	v1 =	vadd.f32 $9.999999710e-10, v1;
	v16 =	vsel vm0, $0xFFFFFFFF, v46;
	vm0 =	veq.s32 v38, v0  }
0x8c: {  	vm6 =	veq.s32 v55, v0;
	v15 =	vsel vm0, $0xFFFFFFFF, v48;
	vm0 =	veq.s32 v42, v0  }
0x8d: {  	(erf) = vrcp.f32 v1;
	v19 =	vsel vm0, $0xFFFFFFFF, v50;
	vm0 =	veq.s32 v44, v0  }
0x8e: {  	vm3 =	veq.s32 v57, v0;
	[tilespmem:$0x1FF40] =	vst v14;
	v14 =	vsel vm0, $0xFFFFFFFF, v51;
	vm0 =	veq.s32 v47, v0  }
0x8f: {  	vm9 =	veq.s32 v11, v0;
	[tilespmem:$0x1FF50] =	vst v16;
	v16 =	vsel vm0, $0xFFFFFFFF, v54;
	vm0 =	veq.s32 v45, v0  }
0x90: {  	vm11 =	veq.s32 v59, v0;
	[tilespmem:$0x1FF30] =	vst v2;
	v17 =	vsel vm0, $0xFFFFFFFF, v56;
	vm0 =	veq.s32 v36, v0  }
0x91: {  	v11 =	vbroadcast v3, $0x0;
	[tilespmem:$0x1FF60] =	vst v15;
	v13 =	vsel vm0, $0xFFFFFFFF, v60;
	vm0 =	veq.s32 v58, v0  }
0x92: {  	[tilespmem:$0x1FF70] =	vst v19;
	v15 =	vsel vm0, $0xFFFFFFFF, v62;
	vm0 =	veq.s32 v6, v0;
	v6 =	vimm.s32 $0x0  }
0x93: {  	vm5 =	veq.s32 v10, v0;
	vm12 =	veq.s32 v52, v0;
	[tilespmem:$0x1FF80] =	vst v14;
	v6 =	vsel vm0, $0xFFFFFFFF, v6  }
0x94: {  	vm10 =	veq.s32 v9, v0;
	vm7 =	veq.s32 v61, v0;
	[tilespmem:$0x1FFD0] =	vst v6;
	v6 =	vbroadcast v5, $0x5  }
0x95: {  	p0 =	sne.s32 s9, $0x1;
	vm8 =	veq.s32 v63, v0;
	vm14 =	veq.s32 v35, v0;
	vm1 =	veq.s32 v11, v0;
	[tilespmem:$0x1FF90] =	vst v16  }
.Ltmp2:
0x96: {  	v1 =	vbroadcast v3, $0x3;
	[tilespmem:$0x1FFA0] =	vst v17;
	v3 =	vpop (erf);
	vm0 =	veq.s32 v6, v0;
	v6 =	vimm.s32 $0x0;
	(pc) =	sbr.rel @p0 .LBB2_2-.Ltmp2, $4  }
0x97: {  	v2 =	vbroadcast v5, $0x0;
	[tilespmem:$0x1FFB0] =	vst v13;
	v4 =	vmul.f32 v3, v4;
	v6 =	vsel vm1, $0xFFFFFFFF, v6  }
0x98: {  	vm1 =	veq.s32 v7, v0;
	v3 =	vmul.f32 v3, v8;
	[tilespmem:$0x1FFE0] =	vst v6;
	v6 =	vimm.s32 $0x0  }
0x99: {  	[tilespmem:$0x1FFC0] =	vst v15;
	v8 =	vbroadcast v5, $0xF;
	v6 =	vsel vm1, $0xFFFFFFFF, v6;
	v7 =	vbroadcast v4, $0xF  }
0x9a: {  	s9 =	sadd.s32 $0xFFFFFFFF, s9;
	vm1 =	veq.s32 v53, v0;
	v5 =	vbroadcast v4, $0x6;
	[tilespmem:$0x1FFF0] =	vst v6;
	v6 =	vbroadcast v4, $0x3  }
.LBB2_3:
0x9b: {  	v9 =	vbroadcast v3, $0xB  }
0x9c: {  	v10 =	vbroadcast v4, $0x7;
	v11 =	vbroadcast v4, $0x1  }
0x9d: {  	v28 =	vbroadcast v4, $0xB;
	v12 =	vbroadcast v4, $0xA  }
0x9e: {  	v13 =	vbroadcast v3, $0x7;
	v14 =	vbroadcast v3, $0xA  }
0x9f: {  	v15 =	vbroadcast v4, $0x9;
	v16 =	vbroadcast v3, $0x9  }
0xa0: {  	v29 =	vbroadcast v3, $0x6;
	v18 =	vbroadcast v4, $0x4  }
0xa1: {  	v19 =	vbroadcast v4, $0x2;
	v30 =	vbroadcast v3, $0x4  }
0xa2: {  	v21 =	vbroadcast v3, $0x2;
	v22 =	vbroadcast v3, $0xF  }
0xa3: {  	v23 =	vbroadcast v4, $0xC;
	v34 =	vbroadcast v3, $0xC  }
0xa4: {  	v35 =	vbroadcast v4, $0xD;
	v36 =	vbroadcast v4, $0xE  }
0xa5: {  	v37 =	vbroadcast v3, $0xD;
	v42 =	vbroadcast v4, $0x8  }
0xa6: {  	v17 =	vld [tilespmem:$0x1FF70];
	v44 =	vbroadcast v3, $0xE;
	v46 =	vbroadcast v3, $0x8  }
0xa7: {  	v20 =	vld [tilespmem:$0x1FF60];
	v47 =	vbroadcast v3, $0x3;
	v52 =	vbroadcast v3, $0x1  }
0xa8: {  	v24 =	vld [tilespmem:$0x1FF80];
	v53 =	vbroadcast v4, $0x5;
	v54 =	vbroadcast v4, $0x0  }
0xa9: {  	vm13 =	veq.s32 v8, v0;
	v31 =	vld [tilespmem:$0x1FF90];
	v56 =	vbroadcast v3, $0x0;
	v58 =	vbroadcast v3, $0x5  }
0xaa: {  	v32 =	vld [tilespmem:$0x1FFD0];
	v7 =	vnsel vm13, $0x0, v7;
	v6 =	vnsel vm9, $0x0, v6;
	v5 =	vnsel vm5, $0x0, v5  }
0xab: {  	v38 =	vld [tilespmem:$0x1FF40];
	vm9 =	veq.s32 v1, v0;
	v63 =	vnsel vm12, $0x0, v9;
	v10 =	vnsel vm11, $0x0, v10  }
0xac: {  	v39 =	vld [tilespmem:$0x1FF50];
	v11 =	vnsel vm4, $0x0, v11;
	v9 =	vnsel vm6, $0x0, v28;
	v13 =	vnsel vm2, $0x0, v13  }
0xad: {  	v41 =	vld [tilespmem:$0x1FF30];
	v12 =	vnsel vm15, $0x0, v12;
	v15 =	vnsel vm3, $0x0, v15;
	v16 =	vnsel vm10, $0x0, v16  }
0xae: {  	v48 =	vld [tilespmem:$0x1FF20];
	v19 =	vnsel vm7, $0x0, v19;
	v21 =	vnsel vm8, $0x0, v21;
	v8 =	vadd.f32 v63, v9  }
0xaf: {  	v49 =	vld [tilespmem:$0x1FFB0];
	v1 =	vnsel vm9, $0x0, v47;
	v33 =	vadd.f32 v13, v10;
	v40 =	vadd.f32 v16, v15  }
0xb0: {  	v60 =	vld [tilespmem:$0x1FFE0];
	v23 =	vnsel vm1, $0x0, v23;
	v43 =	vadd.f32 v21, v19;
	v1 =	vadd.f32 v1, v6  }
0xb1: {  	vm11 =	vnez.u8 v17;
	vm12 =	vnez.u8 v20;
	vm13 =	vnez.u8 v24  }
0xb2: {  	vm15 =	vnez.u8 v31;
	vm4 =	vnez.u8 v32;
	[tilespmem:$0x1B0] =	vst v8;
	vm5 =	vnez.u8 v38  }
0xb3: {  	vm6 =	vnez.u8 v39;
	[tilespmem:$0x170] =	vst v33;
	vm7 =	vnez.u8 v41;
	v8 =	vnsel vm14, $0x0, v36  }
0xb4: {  	v51 =	vld [tilespmem:$0x1FFC0];
	[tilespmem:$0x190] =	vst v40;
	vm8 =	vnez.u8 v48;
	vm10 =	vnez.u8 v49;
	v14 =	vnsel vm11, $0x0, v14  }
0xb5: {  	[tilespmem:$0x120] =	vst v43;
	vm14 =	vnez.u8 v60;
	v17 =	vnsel vm12, $0x0, v29;
	v12 =	vadd.f32 v14, v12  }
0xb6: {  	[tilespmem:$0x130] =	vst v1;
	v18 =	vnsel vm13, $0x0, v18;
	v20 =	vnsel vm15, $0x0, v30;
	v5 =	vadd.f32 v17, v5  }
0xb7: {  	v55 =	vld [tilespmem:$0x1FFF0];
	v22 =	vnsel vm4, $0x0, v22;
	v10 =	vnsel vm5, $0x0, v34;
	v45 =	vadd.f32 v20, v18;
	[tilespmem:$0x1A0] =	vst v12  }
0xb8: {  	v63 =	vld [tilespmem:$0x1FFA0];
	v13 =	vnsel vm6, $0x0, v35;
	v9 =	vnsel vm8, $0x0, v44;
	v10 =	vadd.f32 v10, v23;
	[tilespmem:$0x160] =	vst v5  }
0xb9: {  	v15 =	vnsel vm10, $0x0, v46;
	vm11 =	vnez.u8 v51;
	v8 =	vadd.f32 v9, v8;
	[tilespmem:$0x140] =	vst v45  }
0xba: {  	vm13 =	veq.s32 v2, v0;
	v14 =	vnsel vm7, $0x0, v37;
	v59 =	vadd.f32 v22, v7;
	[tilespmem:$0x1C0] =	vst v10  }
0xbb: {  	v3 =	vnsel vm14, $0x0, v56;
	v2 =	vnsel vm13, $0x0, v54;
	v50 =	vadd.f32 v14, v13;
	[tilespmem:$0x1E0] =	vst v8  }
0xbc: {  	vm12 =	vnez.u8 v55;
	v2 =	vadd.f32 v3, v2;
	v12 =	vnsel vm11, $0x0, v42;
	[tilespmem:$0x1F0] =	vst v59  }
0xbd: {  	vm15 =	vnez.u8 v63;
	v5 =	vnsel vm12, $0x0, v52;
	[tilespmem:$0x1D0] =	vst v50;
	v57 =	vadd.f32 v15, v12  }
0xbe: {  	v62 =	vnsel vm0, $0x0, v53;
	v0 =	vnsel vm15, $0x0, v58;
	v61 =	vadd.f32 v5, v11;
	[tilespmem:$0x100] =	vst v2  }
0xbf: {  	v0 =	vadd.f32 v0, v62;
	[tilespmem:$0x180] =	vst v57  }
0xc0: {  	[tilespmem:$0x110] =	vst v61  }
0xc1: {  	[tilespmem:$0x150] =	vst v0  }
0xc2: {  	[hbm4b:s4+s2] =	stream.linear.scatter [tilespmem:s5], [sflag:$0x1], $0x100, $0x38;
	[tilespmem:$0x200] =	vst v63  }
0xc3: {  	_ =	swait.ge [sflag:s3], $0x100  }
0xc4: {  	[sflag:s3] =	ssyncset.done $0x0  }
0xc5: {  	[sflag:s3] =	ssyncadd.s32 $0xFFFFFF00  }
.LBB2_4:
0xc6: {  	_ =	sfence.sel $0x180000  }
0xc7: {  	[bflag:$0x0] =	sbarrier.arrive $0xFFFF  }
0xc8: {  	p0 =	sne.s32 s1, $0x0;
	_ =	strace $0x90000047  }
0xc9: {  	s0 =	sadd.s32 @!p0 $0x100000, s0;
	[bflag:$0x2] =	sbarrier.arrive $0xFFFF  }
0xca: {  	[sflag:s0] =	ssyncadd.tile.s32 @!p0 $0x1;
	_ =	shalt  }
.Lfunc_end2:
_tile_overlayer_lowered:
.L_overlay_start_2:
0xcb: {  	(tag) =	ssettag $0x2  }
0xcc: {  	s0 =	rddreg [dreg:$0x0];
	s2 =	stileid.u32  }
0xcd: {  	s1 =	rddreg [dreg:$0x1];
	p0 =	sne.s32 s2, $0x0  }
0xce: {  	s3 =	rddreg [dreg:$0x2];
	[bflag:$0x3] =	sbarrier.arrive $0xFFFF;
	s2 =	simm.s32 @!p0 $0x1C01  }
0xcf: {  	[timem:s3], [sflag:s2] =	dma.local @!p0 [hbm:s0], s1  }
0xd0: {  	s0 =	simm.s32 @!p0 $0x1  }
0xd1: {  	_ =	swait.ge @!p0 [sflag:s0], s1  }
0xd2: {  	s1 =	ssub.s32 @!p0 $0x0, s1;
	[sflag:s0] =	ssyncset.done @!p0 $0x0  }
0xd3: {  	[sflag:s0] =	ssyncadd.s32 @!p0 s1  }
0xd4: {  	[bflag:$0x3] =	sbarrier.arrive $0xFFFF  }
0xd5: {  	_ =	shalt  }

</sc_bundles>
